<compile_context>
chip_gen: v7x
topology: tpu7x:2x2x1
jax: 0.10.2.dev20260603
libtpu: 0.0.44.dev20260713+nightly
codegen_flags: <defaults>
</compile_context>

<pallas_src>
import functools

import jax
import jax.numpy as jnp
from jax import lax
from jax.experimental import pallas as pl
from jax.experimental.pallas import tpu as pltpu
from jax.experimental.pallas import tpu_sc as plsc

UNITS = 26
LOWER = -17.0
UPPER = 8.0
BW = 0.05
NUM_BUCKETS = int((UPPER - LOWER) / BW) + 1
RESIDUE = LOWER - BW
BATCH = 4096

NC = 2
NS = 16
NW = NC * NS
LANES = 16

ROWS_PER_TILE = BATCH // NW
GROUPS = ROWS_PER_TILE // LANES

assert ROWS_PER_TILE * NW == BATCH and GROUPS * LANES == ROWS_PER_TILE


KCOLS = NUM_BUCKETS + 1


def _tables_body(w_ref, b_ref, a_ref):
    r = jnp.maximum(w_ref[...], jnp.float32(0.0))
    ki = lax.broadcasted_iota(jnp.int32, (NUM_BUCKETS, KCOLS), 0)
    ji = lax.broadcasted_iota(jnp.int32, (NUM_BUCKETS, KCOLS), 1)
    tri = jnp.where(ki < ji, jnp.float32(BW), jnp.float32(0.0))
    acc = lax.dot(r, tri, precision=lax.Precision.HIGHEST,
                  preferred_element_type=jnp.float32)
    ones_row = jnp.full((1, KCOLS), 1.0, jnp.float32)
    bb = lax.dot_general(b_ref[...], ones_row,
                         dimension_numbers=(((0,), (0,)), ((), ())),
                         precision=lax.Precision.HIGHEST,
                         preferred_element_type=jnp.float32)
    a_ref[...] = acc + bb + jnp.float32(RESIDUE)


def _sc_body(x_hbm, a_hbm, o_hbm, x_v, a_v, c_v, o_v, sem):
    wid = lax.axis_index("s") * NC + lax.axis_index("c")
    col0 = wid * ROWS_PER_TILE
    cx = pltpu.async_copy(x_hbm.at[:, pl.ds(col0, ROWS_PER_TILE)], x_v, sem)
    ca = pltpu.async_copy(a_hbm, a_v, sem)
    cx.wait()

    clo = jnp.float32(LOWER + 1e-09)
    chi = jnp.float32(UPPER - 1e-09)
    shiftf = jnp.float32(BW - LOWER)
    invbw = jnp.float32(1.0 / BW)
    idxcap = jnp.float32(NUM_BUCKETS - 0.5)
    half = jnp.float32(0.5)
    two = jnp.float32(2.0)
    one = jnp.float32(1.0)

    @plsc.parallel_loop(0, UNITS * GROUPS, unroll=8)
    def bucketize(i):
        u = i >> 3
        off = (i & (GROUPS - 1)) * LANES
        xc = jnp.clip(x_v.at[u][pl.ds(off, LANES)], clo, chi)
        t = (xc + shiftf) * invbw
        idxf = jnp.minimum(t, idxcap).astype(jnp.int32).astype(jnp.float32)
        c_v.at[u][pl.ds(off, LANES)] = idxf + (t - idxf) * half

    ca.wait()

    @plsc.parallel_loop(0, UNITS * GROUPS, unroll=8)
    def combine(i):
        u = i >> 3
        off = (i & (GROUPS - 1)) * LANES
        ucol = jnp.full((LANES,), u, jnp.int32)
        c = c_v.at[u][pl.ds(off, LANES)]
        idx = c.astype(jnp.int32)
        frac2 = c - idx.astype(jnp.float32)
        a0 = plsc.load_gather(a_v, [ucol, idx])
        a1 = plsc.load_gather(a_v, [ucol, idx + 1])
        z = a0 + frac2 * two * (a1 - a0)
        o_v.at[u][pl.ds(off, LANES)] = one / (one + jnp.exp(-z))

    pltpu.sync_copy(o_v, o_hbm.at[:, pl.ds(col0, ROWS_PER_TILE)])


def kernel(x, weights, bias):
    a2 = pl.pallas_call(
        _tables_body,
        out_shape=jax.ShapeDtypeStruct((UNITS, KCOLS), jnp.float32),
        compiler_params=pltpu.CompilerParams(skip_device_barrier=True),
    )(weights.astype(jnp.float32), bias.astype(jnp.float32)[None, :])

    sc = functools.partial(
        pl.kernel,
        out_type=jax.ShapeDtypeStruct((UNITS, BATCH), jnp.float32),
        mesh=plsc.VectorSubcoreMesh(core_axis_name="c", subcore_axis_name="s"),
        scratch_types=[
            pltpu.VMEM((UNITS, ROWS_PER_TILE), jnp.float32),
            pltpu.VMEM((UNITS, KCOLS), jnp.float32),
            pltpu.VMEM((UNITS, ROWS_PER_TILE), jnp.float32),
            pltpu.VMEM((UNITS, ROWS_PER_TILE), jnp.float32),
            pltpu.SemaphoreType.DMA,
        ],
        compiler_params=pltpu.CompilerParams(needs_layout_passes=False,
                                             use_tc_tiling_on_sc=True,
                                             skip_device_barrier=True),
    )(_sc_body)
    return sc(x.T, a2).T

# --- scband reference (transcript-rebuilt; emitter-appended) ---
"""Pipeline reference for scband-isotonic-layer-13202729468219 (READ-ONLY COPY).

The authoritative reference and input builder live on the scoring server;
editing this copy changes nothing except your own understanding.
"""

import jax, jax.numpy as jnp
import numpy as np

UNITS = 26
LOWER = -17.0
UPPER = 8.0
BW = 0.05
NUM_BUCKETS = int((UPPER - LOWER) / BW) + 1
RESIDUE = LOWER - BW
BATCH = 4096


def setup_inputs(seed: int = 0) -> dict:
    key = jax.random.key(seed)
    kx = jax.random.fold_in(key, 0)
    x = jax.random.normal(kx, (BATCH, UNITS), dtype=jnp.float32)
    weights = jnp.ones((UNITS, NUM_BUCKETS), dtype=jnp.float32) * 0.5
    bias = jnp.zeros((UNITS,), dtype=jnp.float32)
    return {"x": x, "weights": weights, "bias": bias}


def reference(x, weights, bias):
    # clip input to valid range
    x_clipped = jnp.clip(x, LOWER + 1e-09, UPPER - 1e-09)
    # bucket indices (non-differentiable, matches torch .long())
    idx_f = jax.lax.stop_gradient((x_clipped - LOWER + BW) / BW)
    idx = idx_f.astype(jnp.int32)
    idx = jnp.clip(idx, 0, NUM_BUCKETS - 1)
    bucket_range = jnp.arange(NUM_BUCKETS, dtype=jnp.int32).reshape(1, 1, -1)
    exp_idx = idx[:, :, None]
    # full bucket_width for all lower buckets
    activation = jnp.where(bucket_range < exp_idx, jnp.float32(BW), jnp.float32(0.0))
    # fractional contribution of current bucket (differentiable w.r.t. x)
    delta = x_clipped - LOWER + BW - idx.astype(jnp.float32) * BW
    # scatter delta into the current-bucket slot (equivalent to torch scatter_ on dim 2)
    final_activation = jnp.where(bucket_range == exp_idx, delta[:, :, None], activation)
    non_negative_weights = jax.nn.relu(weights)
    logits = jnp.sum(final_activation * non_negative_weights[None, :, :], axis=2) + RESIDUE + bias
    return jax.nn.sigmoid(logits)

if __name__ == "__main__":
    import jax
    _d = setup_inputs()
    print(jax.jit(kernel)(*tuple(_d.values())))

</pallas_src>

<mosaic_0001>
#map = affine_map<(d0, d1) -> (0, 0)>
module attributes {stable_mosaic.version = 14 : i64} {
  func.func @_sc_body(%arg0: i32, %arg1: i32, %arg2: memref<26x4096xf32, #tpu.memory_space<hbm>>, %arg3: memref<26x502xf32, #tpu.memory_space<hbm>>, %arg4: memref<26x4096xf32, #tpu.memory_space<hbm>>, %arg5: memref<26x128xf32, #tpu.memory_space<vmem>>, %arg6: memref<26x502xf32, #tpu.memory_space<vmem>>, %arg7: memref<26x128xf32, #tpu.memory_space<vmem>>, %arg8: memref<26x128xf32, #tpu.memory_space<vmem>>, %arg9: memref<!tpu.dma_semaphore, #tpu.memory_space<semaphore_mem>>) attributes {dimension_semantics = [#tpu.dimension_semantics<core_parallel>, #tpu.dimension_semantics<subcore_parallel>], iteration_bounds = array<i64: 2, 16>, scalar_prefetch = 0 : i64, scratch_operands = 5 : i64, tpu.core_type = #tpu.core_type<sc_vector_subcore>, window_params = [{transform_indices = #map}, {transform_indices = #map}, {transform_indices = #map}]} {
    %mul3A = arith.constant 2 : i32
    %mul3A_0 = arith.muli %arg1, %mul3A : i32
    %add3A = arith.addi %mul3A_0, %arg0 : i32
    %mul3A_1 = arith.constant 128 : i32
    %mul3A_2 = arith.muli %add3A, %mul3A_1 : i32
    %dma_start3A = arith.constant 0 : i32
    %dma_start3A_3 = tpu.memref_slice %arg2[%dma_start3A, %mul3A_2] : memref<26x4096xf32, #tpu.memory_space<hbm>> -> memref<26x128xf32, #tpu.memory_space<hbm>>
    %dma_start3A_4 = arith.constant 0 : i32
    %dma_start3A_5 = tpu.memref_slice %arg2[%dma_start3A_4, %mul3A_2] : memref<26x4096xf32, #tpu.memory_space<hbm>> -> memref<26x128xf32, #tpu.memory_space<hbm>>
    tpu.enqueue_dma source(%dma_start3A_5 : memref<26x128xf32, #tpu.memory_space<hbm>>) target(%arg5 : memref<26x128xf32, #tpu.memory_space<vmem>>) target_semaphore(%arg9 : memref<!tpu.dma_semaphore, #tpu.memory_space<semaphore_mem>>)
    tpu.enqueue_dma source(%arg3 : memref<26x502xf32, #tpu.memory_space<hbm>>) target(%arg6 : memref<26x502xf32, #tpu.memory_space<vmem>>) target_semaphore(%arg9 : memref<!tpu.dma_semaphore, #tpu.memory_space<semaphore_mem>>)
    %dma_wait3A = arith.constant 0 : i32
    %dma_wait3A_6 = tpu.memref_slice %arg2[%dma_wait3A, %mul3A_2] : memref<26x4096xf32, #tpu.memory_space<hbm>> -> memref<26x128xf32, #tpu.memory_space<hbm>>
    %dma_wait3A_7 = arith.constant 0 : i32
    %dma_wait3A_8 = tpu.memref_slice %arg2[%dma_wait3A_7, %mul3A_2] : memref<26x4096xf32, #tpu.memory_space<hbm>> -> memref<26x128xf32, #tpu.memory_space<hbm>>
    tpu.wait_dma2 semaphore(%arg9 : memref<!tpu.dma_semaphore, #tpu.memory_space<semaphore_mem>>) src(%dma_wait3A_8 : memref<26x128xf32, #tpu.memory_space<hbm>>) dst(%arg5 : memref<26x128xf32, #tpu.memory_space<vmem>>)
    %parallel_loop3A = arith.constant 0 : i32
    %parallel_loop3A_9 = arith.constant 208 : i32
    %parallel_loop3A_10 = arith.constant 1 : i32
    %parallel_loop3A_11 = arith.constant -1.700000e+01 : f32
    %parallel_loop3A_12 = arith.constant 8.000000e+00 : f32
    %parallel_loop3A_13 = arith.constant 1.705000e+01 : f32
    %parallel_loop3A_14 = arith.constant 2.000000e+01 : f32
    %parallel_loop3A_15 = arith.constant 5.005000e+02 : f32
    %parallel_loop3A_16 = arith.constant 5.000000e-01 : f32
    scf.for %parallel_loop3A_22 = %parallel_loop3A to %parallel_loop3A_9 step %parallel_loop3A_10  : i32 {
      %parallel_loop3A_23 = arith.constant 3 : i32
      %parallel_loop3A_24 = arith.shrsi %parallel_loop3A_22, %parallel_loop3A_23 : i32
      %parallel_loop3A_25 = arith.constant 7 : i32
      %parallel_loop3A_26 = arith.andi %parallel_loop3A_22, %parallel_loop3A_25 : i32
      %parallel_loop3A_27 = arith.constant 16 : i32
      %parallel_loop3A_28 = arith.muli %parallel_loop3A_26, %parallel_loop3A_27 : i32
      %parallel_loop3A_29 = arith.constant 0 : i32
      %parallel_loop3A_30 = tpu.memref_slice %arg5[%parallel_loop3A_24, %parallel_loop3A_29] : memref<26x128xf32, #tpu.memory_space<vmem>> -> memref<1x128xf32, #tpu.memory_space<vmem>>
      %parallel_loop3A_31 = tpu.memref_squeeze %parallel_loop3A_30 : memref<1x128xf32, #tpu.memory_space<vmem>> -> memref<128xf32, #tpu.memory_space<vmem>>
      %parallel_loop3A_32 = arith.index_cast %parallel_loop3A_28 : i32 to index
      %parallel_loop3A_33 = tpu.vector_load %parallel_loop3A_31[%parallel_loop3A_32] {strides = array<i32>} : memref<128xf32, #tpu.memory_space<vmem>>, vector<16xf32>,
      %parallel_loop3A_34 = vector.broadcast %parallel_loop3A_11 : f32 to vector<16xf32>
      %parallel_loop3A_35 = arith.maximumf %parallel_loop3A_34, %parallel_loop3A_33 : vector<16xf32>
      %parallel_loop3A_36 = vector.broadcast %parallel_loop3A_12 : f32 to vector<16xf32>
      %parallel_loop3A_37 = arith.minimumf %parallel_loop3A_36, %parallel_loop3A_35 : vector<16xf32>
      %parallel_loop3A_38 = vector.broadcast %parallel_loop3A_13 : f32 to vector<16xf32>
      %parallel_loop3A_39 = arith.addf %parallel_loop3A_37, %parallel_loop3A_38 : vector<16xf32>
      %parallel_loop3A_40 = vector.broadcast %parallel_loop3A_14 : f32 to vector<16xf32>
      %parallel_loop3A_41 = arith.mulf %parallel_loop3A_39, %parallel_loop3A_40 : vector<16xf32>
      %parallel_loop3A_42 = vector.broadcast %parallel_loop3A_15 : f32 to vector<16xf32>
      %parallel_loop3A_43 = arith.minimumf %parallel_loop3A_41, %parallel_loop3A_42 : vector<16xf32>
      %parallel_loop3A_44 = arith.fptosi %parallel_loop3A_43 : vector<16xf32> to vector<16xi32>
      %parallel_loop3A_45 = arith.sitofp %parallel_loop3A_44 : vector<16xi32> to vector<16xf32>
      %parallel_loop3A_46 = arith.subf %parallel_loop3A_41, %parallel_loop3A_45 : vector<16xf32>
      %parallel_loop3A_47 = vector.broadcast %parallel_loop3A_16 : f32 to vector<16xf32>
      %parallel_loop3A_48 = arith.mulf %parallel_loop3A_46, %parallel_loop3A_47 : vector<16xf32>
      %parallel_loop3A_49 = arith.addf %parallel_loop3A_45, %parallel_loop3A_48 : vector<16xf32>
      %parallel_loop3A_50 = arith.constant 0 : i32
      %parallel_loop3A_51 = tpu.memref_slice %arg7[%parallel_loop3A_24, %parallel_loop3A_50] : memref<26x128xf32, #tpu.memory_space<vmem>> -> memref<1x128xf32, #tpu.memory_space<vmem>>
      %parallel_loop3A_52 = tpu.memref_squeeze %parallel_loop3A_51 : memref<1x128xf32, #tpu.memory_space<vmem>> -> memref<128xf32, #tpu.memory_space<vmem>>
      %parallel_loop3A_53 = arith.index_cast %parallel_loop3A_28 : i32 to index
      %parallel_loop3A_54 = tpu.vector_load %parallel_loop3A_52[%parallel_loop3A_53] {strides = array<i32>} : memref<128xf32, #tpu.memory_space<vmem>>, vector<16xf32>,
      tpu.vector_store %parallel_loop3A_52[%parallel_loop3A_53], %parallel_loop3A_49 {strides = array<i32>} : memref<128xf32, #tpu.memory_space<vmem>>, vector<16xf32>,
    } {sc.loop_unroll_factor = 8 : i64, sc.parallel_access}
    tpu.wait_dma2 semaphore(%arg9 : memref<!tpu.dma_semaphore, #tpu.memory_space<semaphore_mem>>) src(%arg3 : memref<26x502xf32, #tpu.memory_space<hbm>>) dst(%arg6 : memref<26x502xf32, #tpu.memory_space<vmem>>)
    %parallel_loop3A_17 = arith.constant 0 : i32
    %parallel_loop3A_18 = arith.constant 208 : i32
    %parallel_loop3A_19 = arith.constant 1 : i32
    %parallel_loop3A_20 = arith.constant 2.000000e+00 : f32
    %parallel_loop3A_21 = arith.constant 1.000000e+00 : f32
    scf.for %parallel_loop3A_22 = %parallel_loop3A_17 to %parallel_loop3A_18 step %parallel_loop3A_19  : i32 {
      %parallel_loop3A_23 = arith.constant 3 : i32
      %parallel_loop3A_24 = arith.shrsi %parallel_loop3A_22, %parallel_loop3A_23 : i32
      %parallel_loop3A_25 = arith.constant 7 : i32
      %parallel_loop3A_26 = arith.andi %parallel_loop3A_22, %parallel_loop3A_25 : i32
      %parallel_loop3A_27 = arith.constant 16 : i32
      %parallel_loop3A_28 = arith.muli %parallel_loop3A_26, %parallel_loop3A_27 : i32
      %parallel_loop3A_29 = vector.broadcast %parallel_loop3A_24 : i32 to vector<16xi32>
      %parallel_loop3A_30 = arith.constant 0 : i32
      %parallel_loop3A_31 = tpu.memref_slice %arg7[%parallel_loop3A_24, %parallel_loop3A_30] : memref<26x128xf32, #tpu.memory_space<vmem>> -> memref<1x128xf32, #tpu.memory_space<vmem>>
      %parallel_loop3A_32 = tpu.memref_squeeze %parallel_loop3A_31 : memref<1x128xf32, #tpu.memory_space<vmem>> -> memref<128xf32, #tpu.memory_space<vmem>>
      %parallel_loop3A_33 = arith.index_cast %parallel_loop3A_28 : i32 to index
      %parallel_loop3A_34 = tpu.vector_load %parallel_loop3A_32[%parallel_loop3A_33] {strides = array<i32>} : memref<128xf32, #tpu.memory_space<vmem>>, vector<16xf32>,
      %parallel_loop3A_35 = arith.fptosi %parallel_loop3A_34 : vector<16xf32> to vector<16xi32>
      %parallel_loop3A_36 = arith.sitofp %parallel_loop3A_35 : vector<16xi32> to vector<16xf32>
      %parallel_loop3A_37 = arith.subf %parallel_loop3A_34, %parallel_loop3A_36 : vector<16xf32>
      %parallel_loop3A_38 = tpu.vector_load_idx %arg6[%parallel_loop3A_29, %parallel_loop3A_35] : memref<26x502xf32, #tpu.memory_space<vmem>>[vector<16xi32>, vector<16xi32>], vector<16xf32>,
      %parallel_loop3A_39 = arith.constant 1 : i32
      %parallel_loop3A_40 = vector.broadcast %parallel_loop3A_39 : i32 to vector<16xi32>
      %parallel_loop3A_41 = arith.addi %parallel_loop3A_35, %parallel_loop3A_40 : vector<16xi32>
      %parallel_loop3A_42 = tpu.vector_load_idx %arg6[%parallel_loop3A_29, %parallel_loop3A_41] : memref<26x502xf32, #tpu.memory_space<vmem>>[vector<16xi32>, vector<16xi32>], vector<16xf32>,
      %parallel_loop3A_43 = vector.broadcast %parallel_loop3A_20 : f32 to vector<16xf32>
      %parallel_loop3A_44 = arith.mulf %parallel_loop3A_37, %parallel_loop3A_43 : vector<16xf32>
      %parallel_loop3A_45 = arith.subf %parallel_loop3A_42, %parallel_loop3A_38 : vector<16xf32>
      %parallel_loop3A_46 = arith.mulf %parallel_loop3A_44, %parallel_loop3A_45 : vector<16xf32>
      %parallel_loop3A_47 = arith.addf %parallel_loop3A_38, %parallel_loop3A_46 : vector<16xf32>
      %parallel_loop3A_48 = arith.constant 0.000000e+00 : f32
      %parallel_loop3A_49 = vector.broadcast %parallel_loop3A_48 : f32 to vector<16xf32>
      %parallel_loop3A_50 = arith.subf %parallel_loop3A_49, %parallel_loop3A_47 : vector<16xf32>
      %parallel_loop3A_51 = math.exp %parallel_loop3A_50 : vector<16xf32>
      %parallel_loop3A_52 = vector.broadcast %parallel_loop3A_21 : f32 to vector<16xf32>
      %parallel_loop3A_53 = arith.addf %parallel_loop3A_52, %parallel_loop3A_51 : vector<16xf32>
      %parallel_loop3A_54 = vector.broadcast %parallel_loop3A_21 : f32 to vector<16xf32>
      %parallel_loop3A_55 = arith.divf %parallel_loop3A_54, %parallel_loop3A_53 : vector<16xf32>
      %parallel_loop3A_56 = arith.constant 0 : i32
      %parallel_loop3A_57 = tpu.memref_slice %arg8[%parallel_loop3A_24, %parallel_loop3A_56] : memref<26x128xf32, #tpu.memory_space<vmem>> -> memref<1x128xf32, #tpu.memory_space<vmem>>
      %parallel_loop3A_58 = tpu.memref_squeeze %parallel_loop3A_57 : memref<1x128xf32, #tpu.memory_space<vmem>> -> memref<128xf32, #tpu.memory_space<vmem>>
      %parallel_loop3A_59 = arith.index_cast %parallel_loop3A_28 : i32 to index
      %parallel_loop3A_60 = tpu.vector_load %parallel_loop3A_58[%parallel_loop3A_59] {strides = array<i32>} : memref<128xf32, #tpu.memory_space<vmem>>, vector<16xf32>,
      tpu.vector_store %parallel_loop3A_58[%parallel_loop3A_59], %parallel_loop3A_55 {strides = array<i32>} : memref<128xf32, #tpu.memory_space<vmem>>, vector<16xf32>,
    } {sc.loop_unroll_factor = 8 : i64, sc.parallel_access}
    "tpu.region"() ({
      %run_scoped3A = tpu.sem_alloc : memref<!tpu.dma_semaphore, #tpu.memory_space<semaphore_mem>>
      %dma_start3A_22 = arith.constant 0 : i32
      %dma_start3A_23 = tpu.memref_slice %arg4[%dma_start3A_22, %mul3A_2] : memref<26x4096xf32, #tpu.memory_space<hbm>> -> memref<26x128xf32, #tpu.memory_space<hbm>>
      %dma_start3A_24 = arith.constant 0 : i32
      %dma_start3A_25 = tpu.memref_slice %arg4[%dma_start3A_24, %mul3A_2] : memref<26x4096xf32, #tpu.memory_space<hbm>> -> memref<26x128xf32, #tpu.memory_space<hbm>>
      tpu.enqueue_dma source(%arg8 : memref<26x128xf32, #tpu.memory_space<vmem>>) target(%dma_start3A_25 : memref<26x128xf32, #tpu.memory_space<hbm>>) target_semaphore(%run_scoped3A : memref<!tpu.dma_semaphore, #tpu.memory_space<semaphore_mem>>)
      %dma_wait3A_26 = arith.constant 0 : i32
      %dma_wait3A_27 = tpu.memref_slice %arg4[%dma_wait3A_26, %mul3A_2] : memref<26x4096xf32, #tpu.memory_space<hbm>> -> memref<26x128xf32, #tpu.memory_space<hbm>>
      %dma_wait3A_28 = arith.constant 0 : i32
      %dma_wait3A_29 = tpu.memref_slice %arg4[%dma_wait3A_28, %mul3A_2] : memref<26x4096xf32, #tpu.memory_space<hbm>> -> memref<26x128xf32, #tpu.memory_space<hbm>>
      tpu.wait_dma2 semaphore(%run_scoped3A : memref<!tpu.dma_semaphore, #tpu.memory_space<semaphore_mem>>) src(%arg8 : memref<26x128xf32, #tpu.memory_space<vmem>>) dst(%dma_wait3A_29 : memref<26x128xf32, #tpu.memory_space<hbm>>)
      tpu.yield
    }) : () -> ()
    return
  }
}

module attributes {stable_mosaic.version = 14 : i64} {
  func.func @_tables_body(%arg0: memref<26x501xf32, #tpu.memory_space<vmem>>, %arg1: memref<1x26xf32, #tpu.memory_space<vmem>>, %arg2: memref<26x502xf32, #tpu.memory_space<vmem>>) attributes {dimension_semantics = [], scalar_prefetch = 0 : i64, scratch_operands = 0 : i64, tpu.core_type = #tpu.core_type<tc>} {
    %get3A = arith.constant 0 : index
    %get3A_0 = arith.constant 0 : index
    %get3A_1 = vector.load %arg0[%get3A, %get3A_0] : memref<26x501xf32, #tpu.memory_space<vmem>>, vector<26x501xf32>
    %max3A = arith.constant 0.000000e+00 : f32
    %max3A_2 = vector.broadcast %max3A : f32 to vector<26x501xf32>
    %max3A_3 = arith.maximumf %get3A_1, %max3A_2 : vector<26x501xf32>
    %iota3A = tpu.iota {dimensions = array<i32: 0>} : vector<501x502xi32>
    %iota3A_4 = tpu.iota {dimensions = array<i32: 1>} : vector<501x502xi32>
    %lt3A = arith.cmpi slt, %iota3A, %iota3A_4 : vector<501x502xi32>
    %jit3A = arith.constant 5.000000e-02 : f32
    %jit3A_5 = arith.constant 0.000000e+00 : f32
    %broadcast_in_dim3A = vector.broadcast %jit3A : f32 to vector<501x502xf32>
    %broadcast_in_dim3A_6 = vector.broadcast %jit3A_5 : f32 to vector<501x502xf32>
    %select_n3A = arith.select %lt3A, %broadcast_in_dim3A, %broadcast_in_dim3A_6 : vector<501x502xi1>, vector<501x502xf32>
    %dot_general3A = arith.constant dense<0.000000e+00> : vector<26x502xf32>
    %dot_general3A_7 = tpu.matmul %max3A_3, %select_n3A, %dot_general3A {dimension_numbers = #tpu.dot_dimension_numbers<[1], [0], [0], [1], [0, 0, 1, 1], [], []>, precision = #tpu.contract_precision<fp32>, transpose_lhs_hint = false} : vector<26x501xf32>, vector<501x502xf32>, vector<26x502xf32> -> vector<26x502xf32>
    %broadcast_in_dim3A_8 = arith.constant 1.000000e+00 : f32
    %broadcast_in_dim3A_9 = vector.broadcast %broadcast_in_dim3A_8 : f32 to vector<1x502xf32>
    %get3A_10 = arith.constant 0 : index
    %get3A_11 = arith.constant 0 : index
    %get3A_12 = vector.load %arg1[%get3A_10, %get3A_11] : memref<1x26xf32, #tpu.memory_space<vmem>>, vector<1x26xf32>
    %dot_general3A_13 = arith.constant dense<0.000000e+00> : vector<26x502xf32>
    %dot_general3A_14 = tpu.matmul %get3A_12, %broadcast_in_dim3A_9, %dot_general3A_13 {dimension_numbers = #tpu.dot_dimension_numbers<[0], [0], [1], [1], [0, 1, 1, 1], [], []>, precision = #tpu.contract_precision<fp32>, transpose_lhs_hint = false} : vector<1x26xf32>, vector<1x502xf32>, vector<26x502xf32> -> vector<26x502xf32>
    %add3A = arith.addf %dot_general3A_7, %dot_general3A_14 : vector<26x502xf32>
    %add3A_15 = arith.constant -1.705000e+01 : f32
    %add3A_16 = vector.broadcast %add3A_15 : f32 to vector<26x502xf32>
    %add3A_17 = arith.addf %add3A, %add3A_16 : vector<26x502xf32>
    %swap3A = arith.constant 0 : index
    %swap3A_18 = arith.constant 0 : index
    %swap3A_19 = vector.load %arg2[%swap3A, %swap3A_18] : memref<26x502xf32, #tpu.memory_space<vmem>>, vector<26x502xf32>
    tpu.vector_store %arg2[%swap3A, %swap3A_18], %add3A_17 {strides = array<i32>} : memref<26x502xf32, #tpu.memory_space<vmem>>, vector<26x502xf32>,
    return
  }
}

</mosaic_0001>

<sc_bundles>
// kernel: kernel.4.cloned.1.call-start
scs
__scs_entry_jumppad:
0x0: {  	(pc) =	sbr.rel $0x88, $3  }
0x1: {  	(tag) =	ssettag $0x0;
	lr =	simm.s32 $0x1  }
0x2: {  	[smem:$0x3F9E] =	sst lr;
	_ =	strace $0xD0000000  }
0x3: {  	_ = 	snop  }
0x4: {  	_ = 	snop  }
0x5: {  	_ = 	snop  }
0x6: {  	_ = 	snop  }
0x7: {  	_ = 	snop  }
__scs_overlays_trampoline_lowered:
0x8: {  	[smem:$0x3FAD] =	sst s0  }
0x9: {  	[smem:$0x3FAE] =	sst s1  }
0xa: {  	[smem:$0x3FAF] =	sst s2  }
0xb: {  	[smem:$0x3FB0] =	sst s3  }
0xc: {  	[smem:$0x3FB1] =	sst s4  }
0xd: {  	[smem:$0x3FB2] =	sst s5  }
0xe: {  	[smem:$0x3FB3] =	sst s6  }
0xf: {  	[smem:$0x3FB4] =	sst s7  }
0x10: {  	[smem:$0x3FB5] =	sst s8  }
0x11: {  	[smem:$0x3FB6] =	sst s9;
	s0 =	simm.s32 @!p0 $0x0  }
0x12: {  	s1 =	sld [smem:$0x3F9C];
	s0 =	simm.s32 @p0 $0x1  }
0x13: {  	[smem:$0x3FB7] =	sst s0;
	s0 =	simm.s32 @!p1 $0x0  }
0x14: {  	s2 =	sld [smem:$0x3F9B];
	s0 =	simm.s32 @p1 $0x1  }
0x15: {  	[smem:$0x3FB8] =	sst s0;
	s0 =	simm.s32 @!p2 $0x0  }
0x16: {  	s3 =	sld [smem:$0x3FDB];
	s0 =	simm.s32 @p2 $0x1  }
0x17: {  	s4 =	simm.s32 $0x1BF5;
	[smem:$0x3FBA] =	sst s0  }
0x18: {  	s0 =	sld [smem:$0x3F9D];
	_ =	swait.ge [sflag:s4], $0x0  }
0x19: {  	s7 =	sld [smem:$0x3F9E]  }
0x1a: {  	s8 =	sadd.s32 $0xFFFFE003, lr  }
0x1b: {  	s9 =	sadd.s32 $0xFFFFFEF7, lr;
	s5 =	simm.s32 $0xFFFFFFFF;
	p2 =	slt.u32 s8, $0xFFFFF086  }
0x1c: {  	p1 =	slt.u32 s9, $0xF7A;
	s5 =	simm.s32 @!p2 $0x0  }
0x1d: {  	s5 =	simm.s32 @p1 $0x1;
	p0 =	seq.s32 s7, s2  }
0x1e: {  	s7 =	smul.u32 @!p0 $0xF7A, s2;
	p2 =	seq.s32 @!p0 s5, $0x0  }
0x1f: {  	s9 =	smul.u32 $0xF7A, s1;
	s8 =	simm.s32 @!p0 $0x1BF5;
	p2 =	por !p2, p0  }
0x20: {  	[sflag:s8] =	ssyncset.s32 @!p0 $0xFFFFF086;
	s6 =	sadd.s32 @!p0 s3, s7;
	s7 =	simm.s32 @!p0 $0x108  }
0x21: {  	s3 =	sadd.s32 s3, s9;
	s6 =	sadd.s32 @!p0 $0x88, s6;
	s7 =	simm.s32 @p2 $0x1082  }
0x22: {  	[simem:s7], [sflag:s8] =	dma.local @!p0 [hbm:s6], $0xF7A  }
0x23: {  	s9 =	sor.u32 $0xD0000000, s2;
	s6 =	simm.s32 $0x108;
	_ =	swait.ge @!p0 [sflag:s8], $0x0  }
0x24: {  	s3 =	sadd.s32 $0x88, s3;
	s6 =	simm.s32 @!p1 $0x1082;
	[sflag:s4] =	ssyncset.s32 $0xFFFFF086  }
0x25: {  	[simem:s6], [sflag:s4] =	dma.local [hbm:s3], $0xF7A  }
0x26: {  	[smem:$0x3F9E] =	sst s1;
	(tag) =	ssettag s2;
	_ =	strace s9  }
0x27: {  	s1 =	sld [smem:$0x3FAE]  }
0x28: {  	s2 =	sld [smem:$0x3FAF]  }
0x29: {  	s4 =	sld [smem:$0x3FB1]  }
0x2a: {  	p0 =	seq.s32 s5, $0x0;
	s5 =	sld [smem:$0x3FB2]  }
0x2b: {  	s6 =	sld [smem:$0x3FB3]  }
0x2c: {  	s7 =	sld [smem:$0x3FB4]  }
0x2d: {  	s3 =	simm.s32 $0x108;
	s8 =	sld [smem:$0x3FB5]  }
0x2e: {  	s3 =	simm.s32 @!p0 $0x1082;
	s9 =	sld [smem:$0x3FB6]  }
0x2f: {  	lr =	sadd.s32 s0, s3;
	s0 =	sld [smem:$0x3FAD]  }
0x30: {  	s3 =	sld [smem:$0x3FB0]  }
0x31: {  	[smem:$0x3FB9] =	sst s10  }
0x32: {  	s10 =	sld [smem:$0x3FB7];
	_ =	sdelay $0x3  }
0x33: {  	p0 =	seq.s32 s10, $0x1;
	s10 =	sld [smem:$0x3FB9];
	_ =	sdelay $0x3  }
0x34: {  	[smem:$0x3FB9] =	sst s10  }
0x35: {  	s10 =	sld [smem:$0x3FB8];
	_ =	sdelay $0x3  }
0x36: {  	p1 =	seq.s32 s10, $0x1;
	s10 =	sld [smem:$0x3FB9];
	_ =	sdelay $0x3  }
0x37: {  	[smem:$0x3FB9] =	sst s10  }
0x38: {  	s10 =	sld [smem:$0x3FBA]  }
0x39: {  	_ = 	snop;
	(pc) =	sbr.ind lr, $3  }
0x3a: {  	_ = 	snop  }
0x3b: {  	_ = 	snop  }
0x3c: {  	p2 =	seq.s32 s10, $0x1;
	s10 =	sld [smem:$0x3FB9]  }
0x3d: {  	_ =	shalt  }
0x3e: {  	_ =	shalt  }
0x3f: {  	_ =	shalt  }
0x40: {  	_ =	shalt  }
0x41: {  	_ =	shalt  }
0x42: {  	_ =	shalt  }
0x43: {  	_ =	shalt  }
0x44: {  	_ =	shalt  }
0x45: {  	_ =	shalt  }
0x46: {  	_ =	shalt  }
0x47: {  	_ =	shalt  }
0x48: {  	_ =	shalt  }
0x49: {  	_ =	shalt  }
0x4a: {  	_ =	shalt  }
0x4b: {  	_ =	shalt  }
0x4c: {  	_ =	shalt  }
0x4d: {  	_ =	shalt  }
0x4e: {  	_ =	shalt  }
0x4f: {  	_ =	shalt  }
0x50: {  	_ =	shalt  }
0x51: {  	_ =	shalt  }
0x52: {  	_ =	shalt  }
0x53: {  	_ =	shalt  }
0x54: {  	_ =	shalt  }
0x55: {  	_ =	shalt  }
0x56: {  	_ =	shalt  }
0x57: {  	_ =	shalt  }
0x58: {  	_ =	shalt  }
0x59: {  	_ =	shalt  }
0x5a: {  	_ =	shalt  }
0x5b: {  	_ =	shalt  }
0x5c: {  	_ =	shalt  }
0x5d: {  	_ =	shalt  }
0x5e: {  	_ =	shalt  }
0x5f: {  	_ =	shalt  }
0x60: {  	_ =	shalt  }
0x61: {  	_ =	shalt  }
0x62: {  	_ =	shalt  }
0x63: {  	_ =	shalt  }
0x64: {  	_ =	shalt  }
0x65: {  	_ =	shalt  }
0x66: {  	_ =	shalt  }
0x67: {  	_ =	shalt  }
0x68: {  	_ =	shalt  }
0x69: {  	_ =	shalt  }
0x6a: {  	_ =	shalt  }
0x6b: {  	_ =	shalt  }
0x6c: {  	_ =	shalt  }
0x6d: {  	_ =	shalt  }
0x6e: {  	_ =	shalt  }
0x6f: {  	_ =	shalt  }
0x70: {  	_ =	shalt  }
0x71: {  	_ =	shalt  }
0x72: {  	_ =	shalt  }
0x73: {  	_ =	shalt  }
0x74: {  	_ =	shalt  }
0x75: {  	_ =	shalt  }
0x76: {  	_ =	shalt  }
0x77: {  	_ =	shalt  }
0x78: {  	_ =	shalt  }
0x79: {  	_ =	shalt  }
0x7a: {  	_ =	shalt  }
0x7b: {  	_ =	shalt  }
0x7c: {  	_ =	shalt  }
0x7d: {  	_ =	shalt  }
0x7e: {  	_ =	shalt  }
0x7f: {  	_ =	shalt  }
0x80: {  	_ =	shalt  }
0x81: {  	_ =	shalt  }
0x82: {  	_ =	shalt  }
0x83: {  	_ =	shalt  }
0x84: {  	_ =	shalt  }
0x85: {  	_ =	shalt  }
0x86: {  	_ =	shalt  }
0x87: {  	_ =	shalt  }
.Lfunc_end0:
.L_simem_size_0:
called_computation_lowered:
.L_overlay_start_0:
0x88: {  	s2 =	sld [smem:$0x3FD9]  }
0x89: {  	s3 =	sld [smem:$0x3FFE];
	_ =	sdelay $0x1  }
0x8a: {  	s1 =	srdreg.scid  }
0x8b: {  	s0 =	sand.u32 $0x1, s1  }
0x8c: {  	s17 =	sshll.u32 s0, $0xA;
	s2 =	sadd.s32 s3, s2  }
0x8d: {  	s2 =	sadd.s32 s2, s17  }
0x8e: {  	[smem:$0x3FC5] =	sst s2  }
0x8f: {  	_ = 	snop  }
0x90: {  	s2 =	sld [smem:$0x3FC9]  }
0x91: {  	s18 =	sld [smem:$0x3FD0];
	(tm) =	ssettm $0x1  }
0x92: {  	s4 =	sld [smem:$0x3FFB];
	_ =	sdelay $0x3  }
0x93: {  	_ =	strace s4  }
0x94: {  	s4 =	sld [smem:$0x3FFC];
	_ =	sdelay $0x3  }
0x95: {  	_ =	strace s4  }
0x96: {  	s4 =	sld [smem:$0x3FFD];
	_ =	sdelay $0x3  }
0x97: {  	_ =	strace s4  }
0x98: {  	_ =	strace $0x8FFFFFFF  }
0x99: {  	s19 =	sld [smem:$0x3FDB];
	_ =	sdelay $0x1  }
0x9a: {  	s5 =	simm.s32 $_scs_section_size  }
0x9b: {  	s6 =	simm.s32 $_size__tile_overlayer_lowered;
	s7 =	simm.s32 $_tile_overlayer_lowered  }
0x9c: {  	s22 =	simm.s32 $0x1BFF;
	s21 =	sshll.u32 s7, $0x1;
	s4 =	sadd.s32 s5, s19  }
0x9d: {  	s8 =	simm.s32 $0x0;
	s20 =	sshll.u32 s6, $0x1;
	s6 =	sadd.s32 s21, s4  }
0x9e: {  	[timem:s8], [sflag:s22] =	dma.local [hbm:s6], s20  }
0x9f: {  	_ =	swait.ge [sflag:s22], s20  }
0xa0: {  	s5 =	ssub.s32 $0x0, s20;
	[sflag:s22] =	ssyncset.done $0x0  }
0xa1: {  	[sflag:s22] =	ssyncadd.s32 s5;
	_ =	sdelay $0x1  }
0xa2: {  	s23 =	simm.s32 $0x1B8B  }
0xa3: {  	_ =	swait.ge [sflag:s23], $0x1  }
0xa4: {  	[sflag:s23] =	ssyncset.done $0x0  }
0xa5: {  	s25 =	simm.s32 $0x1B8E;
	s24 =	sld [smem:$0x3FFE];
	[sflag:s23] =	ssyncadd.s32 $0xFFFFFFFF  }
0xa6: {  	s26 =	simm.s32 $execute0_lowered;
	[smem:$0x3FD2] =	sst s25  }
0xa7: {  	s6 =	sshll.u32 s26, $0x1;
	_ =	strace $0x80000046;
	[dreg:$0x1] =	wrdreg $0xFFFFFFFF  }
0xa8: {  	s28 =	simm.s32 $_size_execute0_lowered;
	s4 =	sadd.s32 s4, s6;
	[dreg:$0x0] =	wrdreg $0x0  }
0xa9: {  	s6 =	sshll.u32 s28, $0x1;
	[dreg:$0x2] =	wrdreg s4  }
0xaa: {  	[dreg:$0x3] =	wrdreg s6  }
0xab: {  	[dreg:$0x4] =	wrdreg $0xC0  }
0xac: {  	_ =	task [dreg:s8], $0x5FFFF  }
0xad: {  	[dreg:$0x1] =	wrdreg $0xFFFFFFFF  }
0xae: {  	[dreg:$0x0] =	wrdreg $0x60  }
0xaf: {  	[dreg:$0x2] =	wrdreg s2  }
0xb0: {  	[dreg:$0x3] =	wrdreg s24  }
0xb1: {  	[dreg:$0x4] =	wrdreg s18  }
0xb2: {  	[dreg:$0x5] =	wrdreg $0x9  }
0xb3: {  	_ =	task.clear_ibuf [dreg:s8], $0x6FFFF;
	_ =	strace $0x90000046  }
0xb4: {  	s29 =	simm.s32 $0x9;
	_ =	strace $0x80000048  }
0xb5: {  	_ =	swait.ge [sflag:s29], $0x1  }
0xb6: {  	[sflag:s29] =	ssyncadd.s32 $0xFFFFFFFF  }
0xb7: {  	_ =	strace $0x90000048  }
0xb8: {  	_ =	sfence  }
0xb9: {  	s30 =	sld [smem:$0x0];
	_ =	sdelay $0x2  }
0xba: {  	s31 =	sshll.u32 s1, $0xD;
	s1 =	sshrl.u32 s1, $0x2  }
0xbb: {  	s3 =	sand.u32 $0x4000, s31;
	s1 =	sadd.s32 s1, s30  }
0xbc: {  	s0 =	sor.u32 s3, s0;
	s1 =	sshll.u32 s1, $0x11  }
0xbd: {  	s0 =	sor.u32 s1, s0  }
0xbe: {  	s0 =	sadd.s32 $0x8F2B, s0  }
0xbf: {  	[sflag:s0] =	ssyncadd.remote.s32 $0x1  }
0xc0: {  	_ =	sfence.sel $0xFFFF  }
0xc1: {  	[dreg:$0x0] =	wrdreg $0xFFFFFFFF;
	(pc) =	sbr.abs _section_cstart, $3  }
0xc2: {  	[dreg:$0x1] =	wrdreg $0xFFFFFFFF  }
0xc3: {  	_ =	task.clear_ibuf [dreg:s8], $0x2FFFF;
	_ =	strace $0x9FFFFFFF  }
0xc4: {  	(tm) =	ssettm $0x7FFFFFFF  }
0xc5: {  	_ =	shalt  }
tec
execute0_lowered:
.L_overlay_start_1:
0x0: {  	(tag) =	ssettag $0x1  }
0x1: {  	s4 =	rddreg [dreg:$0x0]  }
0x2: {  	s3 =	rddreg [dreg:$0x1]  }
0x3: {  	s6 =	rddreg [dreg:$0x2]  }
0x4: {  	s0 =	rddreg [dreg:$0x3];
	s2 =	simm.s32 $0x0;
	s5 =	srdreg.scid  }
0x5: {  	s1 =	stileid.u32;
	s10 =	simm.s32 $0xC00;
	s11 =	simm.s32 $0x1000  }
0x6: {  	s12 =	simm.s32 $0x1;
	s13 =	simm.s32 $0x6000;
	s14 =	simm.s32 $0x6C00  }
0x7: {  	s15 =	simm.s32 $0x2;
	s16 =	simm.s32 $0x0;
	s5 =	sand.u32 $0x1, s5  }
0x8: {  	[smem:$0x7FF] =	sst s2;
	s8 =	sshll.u32 s1, $0x8;
	s7 =	ssub.s32 $0x2, s5  }
0x9: {  	s3 =	sadd.s32 $0xA00, s3;
	s5 =	sshll.u32 s5, $0x7;
	s9 =	sshrl.u32 s7, $0x1  }
0xa: {  	_ =	strace $0x80000047;
	s8 =	sor.u32 s5, s8;
	s7 =	ssub.s32 s7, s9  }
0xb: {  	s4 =	sadd.s32 s4, s8;
	s6 =	sadd.s32 s6, s8;
	s8 =	simm.s32 $0x400  }
0xc: {  	s9 =	simm.s32 $0x8000;
	s5 =	sadd.s32 $0x3000, s4;
	s7 =	smax.u32 s7, $0x1  }
.LBB2_1:
0xd: {  	[tilespmem:s2], [sflag:$0x1] =	stream.strided.gather [hbm4b:s4+s8], $0xC00, s9, s8, $0x38;
	[tilespmem:$0x7000] =	vst v63  }
0xe: {  	_ = 	snop  }
0xf: {  	[tilespmem:s10], [sflag:$0x1] =	stream.linear.gather [hbm4b:s5+s2], $0x100, $0x38;
	[tilespmem:$0x7000] =	vst v63  }
0x10: {  	_ = 	snop  }
0x11: {  	[tilespmem:s11], [sflag:$0x1] =	stream.linear.gather [hbm4b:s3+s2], $0x4000, $0x38;
	[tilespmem:$0x7000] =	vst v63  }
0x12: {  	_ =	swait.ge [sflag:s12], $0xD00  }
0x13: {  	[sflag:s12] =	ssyncset.done $0x0  }
0x14: {  	s17 =	simm.s32 $0x40;
	[sflag:s12] =	ssyncadd.s32 $0xFFFFF300  }
0x15: {  	v0 =	vld [tilespmem:s17+$0x30]  }
0x16: {  	v1 =	vld [tilespmem:s17+$0xFFFFFFD0]  }
0x17: {  	v2 =	vld [tilespmem:s17+$0xFFFFFFE0]  }
0x18: {  	v3 =	vld [tilespmem:s17+$0xFFFFFFF0]  }
0x19: {  	v4 =	vld [tilespmem:s17+$0x0]  }
0x1a: {  	v5 =	vld [tilespmem:s17+$0x10]  }
0x1b: {  	v6 =	vld [tilespmem:s17+$0x20]  }
0x1c: {  	v7 =	vld [tilespmem:s17+$0xFFFFFFC0];
	_ =	sdelay $0x2  }
0x1d: {  	v0 =	vmax.f32 v0, $-1.700000000e+01;
	v1 =	vmax.f32 v1, $-1.700000000e+01  }
0x1e: {  	v2 =	vmax.f32 v2, $-1.700000000e+01;
	v3 =	vmax.f32 v3, $-1.700000000e+01;
	v4 =	vmax.f32 v4, $-1.700000000e+01  }
0x1f: {  	v5 =	vmax.f32 v5, $-1.700000000e+01;
	v6 =	vmax.f32 v6, $-1.700000000e+01;
	v7 =	vmax.f32 v7, $-1.700000000e+01  }
0x20: {  	v0 =	vmin.f32 v0, $8.000000000e+00;
	v1 =	vmin.f32 v1, $8.000000000e+00;
	v2 =	vmin.f32 v2, $8.000000000e+00  }
0x21: {  	v3 =	vmin.f32 v3, $8.000000000e+00;
	v4 =	vmin.f32 v4, $8.000000000e+00;
	v5 =	vmin.f32 v5, $8.000000000e+00  }
0x22: {  	v6 =	vmin.f32 v6, $8.000000000e+00;
	v0 =	vadd.f32 $1.704999920e+01, v0;
	v1 =	vadd.f32 $1.704999920e+01, v1  }
0x23: {  	v7 =	vmin.f32 v7, $8.000000000e+00;
	v2 =	vadd.f32 $1.704999920e+01, v2;
	v10 =	vadd.f32 $1.704999920e+01, v3  }
0x24: {  	v7 =	vadd.f32 $1.704999920e+01, v7;
	v11 =	vadd.f32 $1.704999920e+01, v6;
	v0 =	vmul.f32 $2.000000000e+01, v0  }
0x25: {  	v3 =	vmul.f32 $2.000000000e+01, v1;
	v1 =	vadd.f32 $1.704999920e+01, v4;
	v4 =	vadd.f32 $1.704999920e+01, v5  }
0x26: {  	v9 =	vmul.f32 $2.000000000e+01, v7;
	v7 =	vmul.f32 $2.000000000e+01, v10;
	v8 =	vmin.f32 v0, $5.005000000e+02  }
0x27: {  	v12 =	vmin.f32 v3, $5.005000000e+02;
	v5 =	vmul.f32 $2.000000000e+01, v1;
	v6 =	vmul.f32 $2.000000000e+01, v4  }
0x28: {  	v1 =	vmin.f32 v9, $5.005000000e+02;
	v4 =	vmul.f32 $2.000000000e+01, v11;
	v8 =	vtrunc.f32 v8  }
0x29: {  	v10 =	vmin.f32 v7, $5.005000000e+02;
	v1 =	vtrunc.f32 v1;
	v8 =	vcvt.f32.s32 v8  }
0x2a: {  	v12 =	vtrunc.f32 v12;
	v10 =	vtrunc.f32 v10;
	v11 =	vmin.f32 v5, $5.005000000e+02  }
0x2b: {  	v14 =	vmin.f32 v6, $5.005000000e+02;
	v1 =	vcvt.f32.s32 v1;
	v13 =	vcvt.s32.f32 v8  }
0x2c: {  	v15 =	vmin.f32 v4, $5.005000000e+02;
	v16 =	vcvt.f32.s32 v12;
	v18 =	vcvt.f32.s32 v10  }
0x2d: {  	v11 =	vtrunc.f32 v11;
	v8 =	vmul.f32 $2.000000000e+01, v2;
	v0 =	vsub.f32 v0, v13  }
0x2e: {  	v14 =	vtrunc.f32 v14;
	v15 =	vtrunc.f32 v15  }
0x2f: {  	v12 =	vcvt.f32.s32 v11;
	v2 =	vmin.f32 v8, $5.005000000e+02;
	v0 =	vmul.f32 $5.000000000e-01, v0  }
0x30: {  	v11 =	vcvt.f32.s32 v15;
	v2 =	vtrunc.f32 v2  }
0x31: {  	v10 =	vcvt.s32.f32 v1;
	v17 =	vcvt.f32.s32 v2;
	v0 =	vadd.f32 v13, v0  }
0x32: {  	s18 =	simm.s32 $0x5040;
	v2 =	vcvt.s32.f32 v16;
	v13 =	vcvt.f32.s32 v14  }
0x33: {  	s19 =	simm.s32 $0x0;
	s20 =	simm.s32 $0xC0;
	s17 =	simm.s32 $0x5040;
	v1 =	vcvt.s32.f32 v17;
	[tilespmem:s18+$0x30] =	vst v0;
	v0 =	vcvt.s32.f32 v18  }
.LBB2_2:
0x34: {  	v14 =	vld [tilespmem:s20+$0x30];
	s19 =	sadd.s32 $0x8, s19;
	v9 =	vsub.f32 v9, v10;
	v12 =	vcvt.s32.f32 v12;
	v13 =	vcvt.s32.f32 v13  }
0x35: {  	v3 =	vsub.f32 v3, v2;
	v16 =	vcvt.s32.f32 v11;
	v15 =	vld [tilespmem:s20+$0xFFFFFFD0];
	p0 =	slt.u32 s19, $0xC8;
	v8 =	vsub.f32 v8, v1  }
0x36: {  	v7 =	vsub.f32 v7, v0;
	v11 =	vld [tilespmem:s20+$0xFFFFFFE0];
	v9 =	vmul.f32 $5.000000000e-01, v9;
	v5 =	vsub.f32 v5, v12  }
0x37: {  	v18 =	vmul.f32 $5.000000000e-01, v3;
	v3 =	vsub.f32 v6, v13;
	v4 =	vsub.f32 v4, v16;
	v17 =	vld [tilespmem:s20+$0xFFFFFFF0]  }
0x38: {  	v19 =	vmul.f32 $5.000000000e-01, v7;
	v6 =	vld [tilespmem:s20+$0x0];
	v9 =	vadd.f32 v10, v9;
	v10 =	vmul.f32 $5.000000000e-01, v8  }
0x39: {  	v20 =	vmul.f32 $5.000000000e-01, v3;
	v7 =	vld [tilespmem:s20+$0x10];
	v8 =	vmax.f32 v14, $-1.700000000e+01;
	v14 =	vmul.f32 $5.000000000e-01, v5  }
0x3a: {  	v3 =	vmax.f32 v15, $-1.700000000e+01;
	v5 =	vld [tilespmem:s20+$0x20];
	v8 =	vmin.f32 v8, $8.000000000e+00;
	[tilespmem:s18+$0xFFFFFFC0] =	vst v9;
	v15 =	vmul.f32 $5.000000000e-01, v4  }
0x3b: {  	v4 =	vld [tilespmem:s20+$0xFFFFFFC0];
	v3 =	vmin.f32 v3, $8.000000000e+00;
	v9 =	vmax.f32 v11, $-1.700000000e+01;
	v8 =	vadd.f32 $1.704999920e+01, v8  }
0x3c: {  	v3 =	vadd.f32 $1.704999920e+01, v3;
	v9 =	vmin.f32 v9, $8.000000000e+00;
	v11 =	vmax.f32 v17, $-1.700000000e+01  }
0x3d: {  	v11 =	vmin.f32 v11, $8.000000000e+00;
	v6 =	vmax.f32 v6, $-1.700000000e+01;
	v17 =	vmul.f32 $2.000000000e+01, v8  }
0x3e: {  	v8 =	vadd.f32 $1.704999920e+01, v9;
	v6 =	vmin.f32 v6, $8.000000000e+00;
	v7 =	vmax.f32 v7, $-1.700000000e+01  }
0x3f: {  	v7 =	vmin.f32 v7, $8.000000000e+00;
	v5 =	vmax.f32 v5, $-1.700000000e+01;
	v9 =	vmin.f32 v17, $5.005000000e+02  }
0x40: {  	v4 =	vmax.f32 v4, $-1.700000000e+01;
	v5 =	vmin.f32 v5, $8.000000000e+00;
	v9 =	vtrunc.f32 v9  }
0x41: {  	v11 =	vadd.f32 $1.704999920e+01, v11;
	v4 =	vmin.f32 v4, $8.000000000e+00;
	v9 =	vcvt.f32.s32 v9  }
0x42: {  	v3 =	vmul.f32 $2.000000000e+01, v3;
	v6 =	vadd.f32 $1.704999920e+01, v6;
	v4 =	vadd.f32 $1.704999920e+01, v4  }
0x43: {  	v21 =	vadd.f32 $1.704999920e+01, v7;
	v22 =	vadd.f32 $1.704999920e+01, v5;
	v23 =	vcvt.s32.f32 v9  }
0x44: {  	v8 =	vmul.f32 $2.000000000e+01, v8;
	v24 =	vmin.f32 v3, $5.005000000e+02;
	v9 =	vmul.f32 $2.000000000e+01, v4  }
0x45: {  	v7 =	vmul.f32 $2.000000000e+01, v11;
	v5 =	vmul.f32 $2.000000000e+01, v6;
	v11 =	vsub.f32 v17, v23  }
0x46: {  	v6 =	vmul.f32 $2.000000000e+01, v21;
	v4 =	vmul.f32 $2.000000000e+01, v22;
	v17 =	vmin.f32 v9, $5.005000000e+02  }
0x47: {  	v21 =	vmin.f32 v8, $5.005000000e+02;
	v22 =	vmin.f32 v7, $5.005000000e+02;
	v11 =	vmul.f32 $5.000000000e-01, v11  }
0x48: {  	v25 =	vmin.f32 v5, $5.005000000e+02;
	v26 =	vmin.f32 v6, $5.005000000e+02;
	v27 =	vmin.f32 v4, $5.005000000e+02  }
0x49: {  	v24 =	vtrunc.f32 v24;
	v17 =	vtrunc.f32 v17;
	v11 =	vadd.f32 v23, v11  }
0x4a: {  	v2 =	vadd.f32 v2, v18;
	s18 =	sadd.s32 $0x80, s18;
	v21 =	vtrunc.f32 v21;
	v22 =	vtrunc.f32 v22  }
0x4b: {  	v1 =	vadd.f32 v1, v10;
	v18 =	vtrunc.f32 v25;
	v23 =	vtrunc.f32 v26;
	[tilespmem:s18+$0x30] =	vst v11  }
0x4c: {  	v0 =	vadd.f32 v0, v19;
	v10 =	vcvt.f32.s32 v17;
	v11 =	vtrunc.f32 v27;
	[tilespmem:s17+$0xFFFFFFD0] =	vst v2  }
.Ltmp0:
0x4d: {  	v17 =	vcvt.f32.s32 v21;
	v2 =	vcvt.f32.s32 v24;
	[tilespmem:s17+$0xFFFFFFE0] =	vst v1;
	v1 =	vadd.f32 v12, v14;
	(pc) =	sbr.rel @p0 .LBB2_2-.Ltmp0, $4  }
0x4e: {  	v14 =	vcvt.f32.s32 v22;
	v12 =	vcvt.f32.s32 v18;
	[tilespmem:s17+$0xFFFFFFF0] =	vst v0;
	v0 =	vadd.f32 v13, v20  }
0x4f: {  	v15 =	vadd.f32 v16, v15;
	v11 =	vcvt.f32.s32 v11;
	v13 =	vcvt.f32.s32 v23;
	[tilespmem:s17+$0x0] =	vst v1  }
0x50: {  	v10 =	vcvt.s32.f32 v10;
	v2 =	vcvt.s32.f32 v2;
	[tilespmem:s17+$0x10] =	vst v0  }
0x51: {  	s20 =	sadd.s32 $0x80, s20;
	v1 =	vcvt.s32.f32 v17;
	v0 =	vcvt.s32.f32 v14;
	[tilespmem:s17+$0x20] =	vst v15;
	s17 =	smov.u32 s18  }
0x52: {  	v9 =	vsub.f32 v9, v10  }
0x53: {  	v12 =	vcvt.s32.f32 v12;
	v3 =	vsub.f32 v3, v2  }
0x54: {  	v13 =	vcvt.s32.f32 v13;
	v8 =	vsub.f32 v8, v1;
	v9 =	vmul.f32 $5.000000000e-01, v9  }
0x55: {  	v11 =	vcvt.s32.f32 v11;
	v7 =	vsub.f32 v7, v0;
	v3 =	vmul.f32 $5.000000000e-01, v3  }
0x56: {  	v5 =	vsub.f32 v5, v12;
	v8 =	vmul.f32 $5.000000000e-01, v8;
	v9 =	vadd.f32 v10, v9  }
0x57: {  	v6 =	vsub.f32 v6, v13;
	v7 =	vmul.f32 $5.000000000e-01, v7;
	v2 =	vadd.f32 v2, v3  }
0x58: {  	v3 =	vsub.f32 v4, v11;
	v4 =	vmul.f32 $5.000000000e-01, v5;
	v1 =	vadd.f32 v1, v8;
	[tilespmem:s18+$0xFFFFFFC0] =	vst v9  }
0x59: {  	v5 =	vmul.f32 $5.000000000e-01, v6;
	v0 =	vadd.f32 v0, v7;
	[tilespmem:s17+$0xFFFFFFD0] =	vst v2  }
0x5a: {  	v2 =	vmul.f32 $5.000000000e-01, v3;
	[tilespmem:s17+$0xFFFFFFE0] =	vst v1;
	v1 =	vadd.f32 v12, v4  }
0x5b: {  	[tilespmem:s17+$0xFFFFFFF0] =	vst v0;
	v0 =	vadd.f32 v13, v5  }
0x5c: {  	[tilespmem:s17+$0x0] =	vst v1;
	v1 =	vadd.f32 v11, v2  }
0x5d: {  	[tilespmem:s17+$0x10] =	vst v0  }
0x5e: {  	[tilespmem:s17+$0x20] =	vst v1  }
0x5f: {  	_ =	swait.ge [sflag:s12], $0x4000  }
0x60: {  	[sflag:s12] =	ssyncset.done $0x0  }
0x61: {  	s26 =	simm.s32 $0x5040;
	[sflag:s12] =	ssyncadd.s32 $0xFFFFC000  }
0x62: {  	v8 =	vld [tilespmem:s26+$0x30]  }
0x63: {  	v3 =	vld [tilespmem:s26+$0xFFFFFFC0]  }
0x64: {  	s28 =	simm.s32 $0x0;
	v0 =	vld [tilespmem:s26+$0xFFFFFFD0]  }
0x65: {  	v4 =	vmov s28;
	v1 =	vld [tilespmem:s26+$0xFFFFFFE0]  }
0x66: {  	v6 =	vshll.u32 v4, $0x9;
	v5 =	vshll.u32 v4, $0x7;
	v4 =	vld [tilespmem:s26+$0x0]  }
0x67: {  	v7 =	vand.u32 $0x380, v5;
	v5 =	vld [tilespmem:s26+$0x10]  }
0x68: {  	v14 =	vand.u32 $0x3000, v6;
	v6 =	vld [tilespmem:s26+$0x20];
	_ =	sdelay $0x1  }
0x69: {  	v2 =	vtrunc.f32 v8;
	v10 =	vtrunc.f32 v3  }
0x6a: {  	v11 =	vtrunc.f32 v0;
	v60 =	vtrunc.f32 v1  }
0x6b: {  	v17 =	vtrunc.f32 v4;
	v18 =	vtrunc.f32 v5  }
0x6c: {  	v19 =	vtrunc.f32 v6;
	v9 =	vcvt.f32.s32 v2  }
0x6d: {  	v10 =	vcvt.f32.s32 v10;
	v11 =	vcvt.f32.s32 v11  }
0x6e: {  	v17 =	vcvt.f32.s32 v17;
	v18 =	vcvt.f32.s32 v18  }
0x6f: {  	v19 =	vcvt.f32.s32 v19;
	v12 =	vshll.u32 v9, $0x3;
	v13 =	vadd.s32 $0x1, v9  }
0x70: {  	v16 =	vand.u32 $0x7F, v9;
	v20 =	vadd.s32 $0x1, v10;
	v21 =	vadd.s32 $0x1, v11  }
0x71: {  	v24 =	vadd.s32 $0x1, v17;
	v25 =	vadd.s32 $0x1, v18;
	v27 =	vadd.s32 $0x1, v19  }
0x72: {  	v9 =	vcvt.s32.f32 v9;
	v33 =	vshll.u32 v11, $0x3;
	v37 =	vshll.u32 v17, $0x3  }
0x73: {  	v38 =	vshll.u32 v18, $0x3;
	v39 =	vshll.u32 v19, $0x3;
	v50 =	vand.u32 $0x7F, v10  }
0x74: {  	v51 =	vand.u32 $0x7F, v11;
	v54 =	vand.u32 $0x7F, v17;
	v55 =	vand.u32 $0x7F, v18  }
0x75: {  	v56 =	vand.u32 $0x7F, v19;
	v11 =	vcvt.s32.f32 v11;
	v17 =	vcvt.s32.f32 v17  }
0x76: {  	v18 =	vcvt.s32.f32 v18;
	v12 =	vand.u32 $0xFFFFFC00, v12;
	v15 =	vshll.u32 v13, $0x3  }
0x77: {  	v13 =	vand.u32 $0x7F, v13;
	v26 =	vshll.u32 v20, $0x3;
	v28 =	vshll.u32 v21, $0x3  }
0x78: {  	v31 =	vshll.u32 v24, $0x3;
	v32 =	vshll.u32 v25, $0x3;
	v34 =	vshll.u32 v27, $0x3  }
0x79: {  	v44 =	vand.u32 $0xFFFFFC00, v37;
	v12 =	vadd.s32 v14, v12;
	v15 =	vand.u32 $0xFFFFFC00, v15  }
0x7a: {  	v45 =	vand.u32 $0xFFFFFC00, v38;
	v12 =	vor.u32 v16, v12;
	v15 =	vadd.s32 v14, v15  }
0x7b: {  	v46 =	vand.u32 $0xFFFFFC00, v39;
	v12 =	vor.u32 v7, v12;
	v13 =	vor.u32 v13, v15  }
0x7c: {  	v20 =	vand.u32 $0x7F, v20;
	v21 =	vand.u32 $0x7F, v21;
	v13 =	vor.u32 v7, v13  }
0x7d: {  	v2 =	vld [tilespmem:s26+$0xFFFFFFF0];
	v24 =	vand.u32 $0x7F, v24;
	v25 =	vand.u32 $0x7F, v25;
	v27 =	vand.u32 $0x7F, v27  }
0x7e: {  	v8 =	vsub.f32 v8, v9;
	v9 =	vshll.u32 v10, $0x3;
	v26 =	vand.u32 $0xFFFFFC00, v26  }
0x7f: {  	v63 =	vand.u32 $0xFFFFFC00, v31;
	v40 =	vand.u32 $0xFFFFFC00, v32;
	v41 =	vand.u32 $0xFFFFFC00, v34  }
0x80: {  	v48 =	vadd.s32 v14, v44;
	v49 =	vadd.s32 v14, v45;
	v10 =	vcvt.s32.f32 v10;
	v12 =	vld.idx.msk [tilespmem:v12+s11+$0x0], $0xffff  }
0x81: {  	v0 =	vsub.f32 v0, v11;
	v16 =	vcvt.f32.s32 v60;
	v9 =	vand.u32 $0xFFFFFC00, v9;
	v13 =	vld.idx.msk [tilespmem:v13+s11+$0x0], $0xffff  }
0x82: {  	v26 =	vadd.s32 v14, v26;
	v32 =	vadd.s32 v14, v41;
	v15 =	vtrunc.f32 v2  }
0x83: {  	v8 =	vadd.f32 v8, v8;
	v20 =	vor.u32 v20, v26;
	v27 =	vor.u32 v27, v32  }
0x84: {  	v26 =	vor.u32 v54, v48;
	v3 =	vsub.f32 v3, v10;
	v15 =	vcvt.f32.s32 v15  }
0x85: {  	v22 =	vadd.s32 $0x1, v16;
	v35 =	vshll.u32 v16, $0x3;
	v52 =	vand.u32 $0x7F, v16  }
0x86: {  	v20 =	vor.u32 v7, v20;
	v27 =	vor.u32 v7, v27;
	v13 =	vsub.f32 v13, v12  }
0x87: {  	v26 =	vor.u32 v7, v26;
	v29 =	vshll.u32 v22, $0x3;
	v42 =	vand.u32 $0xFFFFFC00, v35  }
0x88: {  	v22 =	vand.u32 $0x7F, v22;
	v23 =	vadd.s32 $0x1, v15;
	v8 =	vmul.f32 v8, v13  }
0x89: {  	v36 =	vshll.u32 v15, $0x3;
	v61 =	vand.u32 $0xFFFFFC00, v29;
	v53 =	vand.u32 $0x7F, v15  }
0x8a: {  	v15 =	vcvt.s32.f32 v15;
	v30 =	vshll.u32 v23, $0x3;
	v8 =	vadd.f32 v8, v12  }
0x8b: {  	v43 =	vand.u32 $0xFFFFFC00, v36;
	v62 =	vand.u32 $0xFFFFFC00, v30;
	v30 =	vadd.s32 v14, v63  }
0x8c: {  	v23 =	vand.u32 $0x7F, v23;
	v24 =	vor.u32 v24, v30;
	v8 =	vsub.f32 $0.0e+00, v8  }
0x8d: {  	v47 =	vadd.s32 v14, v43;
	v24 =	vor.u32 v7, v24;
	v13 =	vand.u32 $0xFFFFFC00, v28  }
0x8e: {  	v28 =	vadd.s32 v14, v61;
	v13 =	vadd.s32 v14, v13;
	v8 =	vmul.f32 $1.442695020e+00, v8  }
0x8f: {  	v22 =	vor.u32 v22, v28;
	v12 =	vand.u32 $0xFFFFFC00, v33;
	v13 =	vor.u32 v21, v13  }
0x90: {  	v22 =	vor.u32 v7, v22;
	(erf) = vpow2.f32 v8;
	v8 =	vadd.s32 v14, v9  }
0x91: {  	v20 =	vld.idx.msk [tilespmem:v20+s11+$0x0], $0xffff;
	v13 =	vor.u32 v7, v13;
	v9 =	vadd.s32 v14, v12;
	v8 =	vor.u32 v50, v8  }
0x92: {  	v10 =	vld.idx.msk [tilespmem:v27+s11+$0x0], $0xffff;
	v12 =	vadd.s32 v14, v42;
	v9 =	vor.u32 v51, v9;
	v8 =	vor.u32 v7, v8  }
0x93: {  	v2 =	vsub.f32 v2, v15;
	v15 =	vld.idx.msk [tilespmem:v26+s11+$0x0], $0xffff;
	v12 =	vor.u32 v52, v12;
	v9 =	vor.u32 v7, v9  }
0x94: {  	v29 =	vadd.s32 v14, v62;
	v58 =	vor.u32 v53, v47;
	v24 =	vld.idx.msk [tilespmem:v24+s11+$0x0], $0xffff;
	v12 =	vor.u32 v7, v12  }
0x95: {  	v11 =	vcvt.s32.f32 v19;
	v23 =	vor.u32 v23, v29;
	v59 =	vor.u32 v7, v58;
	v22 =	vld.idx.msk [tilespmem:v22+s11+$0x0], $0xffff  }
0x96: {  	v31 =	vadd.s32 v14, v40;
	v23 =	vor.u32 v7, v23;
	v21 =	vor.u32 v55, v49;
	v13 =	vld.idx.msk [tilespmem:v13+s11+$0x0], $0xffff  }
0x97: {  	v25 =	vor.u32 v25, v31;
	v21 =	vor.u32 v7, v21;
	v14 =	vadd.s32 v14, v46;
	v8 =	vld.idx.msk [tilespmem:v8+s11+$0x0], $0xffff  }
0x98: {  	v4 =	vsub.f32 v4, v17;
	v25 =	vor.u32 v7, v25;
	v14 =	vor.u32 v56, v14;
	v9 =	vld.idx.msk [tilespmem:v9+s11+$0x0], $0xffff  }
0x99: {  	v5 =	vsub.f32 v5, v18;
	v6 =	vsub.f32 v6, v11;
	v7 =	vor.u32 v7, v14;
	v12 =	vld.idx.msk [tilespmem:v12+s11+$0x0], $0xffff  }
0x9a: {  	v0 =	vadd.f32 v0, v0;
	v4 =	vadd.f32 v4, v4;
	v16 =	vcvt.s32.f32 v16;
	v11 =	vld.idx.msk [tilespmem:v59+s11+$0x0], $0xffff  }
0x9b: {  	v5 =	vadd.f32 v5, v5;
	v3 =	vadd.f32 v3, v3;
	v23 =	vld.idx.msk [tilespmem:v23+s11+$0x0], $0xffff  }
0x9c: {  	v1 =	vsub.f32 v1, v16;
	v60 =	vld.idx.msk [tilespmem:v21+s11+$0x0], $0xffff;
	v61 =	vsub.f32 v20, v8  }
0x9d: {  	v6 =	vadd.f32 v6, v6;
	v14 =	vld.idx.msk [tilespmem:v25+s11+$0x0], $0xffff;
	v13 =	vsub.f32 v13, v9  }
0x9e: {  	v1 =	vadd.f32 v1, v1;
	v7 =	vld.idx.msk [tilespmem:v7+s11+$0x0], $0xffff;
	v57 =	vpop (erf);
	v62 =	vsub.f32 v22, v12;
	v3 =	vmul.f32 v3, v61  }
0x9f: {  	v2 =	vadd.f32 v2, v2;
	v29 =	vadd.f32 $1.000000000e+00, v57;
	v0 =	vmul.f32 v0, v13  }
0xa0: {  	v13 =	vsub.f32 v23, v11;
	v1 =	vmul.f32 v1, v62;
	v3 =	vadd.f32 v3, v8  }
0xa1: {  	(erf) = vrcp.f32 v29;
	v8 =	vsub.f32 v24, v15;
	v0 =	vadd.f32 v0, v9  }
0xa2: {  	v2 =	vmul.f32 v2, v13;
	v9 =	vsub.f32 v14, v60;
	v1 =	vadd.f32 v1, v12  }
0xa3: {  	s29 =	simm.s32 $0x50C0;
	v4 =	vmul.f32 v4, v8;
	v8 =	vsub.f32 v10, v7;
	v3 =	vsub.f32 $0.0e+00, v3  }
0xa4: {  	v2 =	vadd.f32 v2, v11;
	v5 =	vmul.f32 v5, v9;
	v0 =	vsub.f32 $0.0e+00, v0;
	v10 =	vld [tilespmem:s29+$0x10]  }
0xa5: {  	v1 =	vsub.f32 $0.0e+00, v1;
	v4 =	vadd.f32 v4, v15;
	v6 =	vmul.f32 v6, v8  }
0xa6: {  	v63 =	vld [tilespmem:s29+$0x30];
	v3 =	vmul.f32 $1.442695020e+00, v3;
	v8 =	vadd.f32 v5, v60;
	v2 =	vsub.f32 $0.0e+00, v2  }
0xa7: {  	v0 =	vmul.f32 $1.442695020e+00, v0;
	v9 =	vmul.f32 $1.442695020e+00, v1;
	v1 =	vsub.f32 $0.0e+00, v4  }
0xa8: {  	v5 =	vld [tilespmem:s29+$0xFFFFFFC0];
	v8 =	vsub.f32 $0.0e+00, v8;
	v4 =	vmul.f32 $1.442695020e+00, v2;
	(erf) = vpow2.f32 v3  }
0xa9: {  	s30 =	simm.s32 $0x1;
	v7 =	vadd.f32 v6, v7;
	(erf) = vpow2.f32 v0;
	v46 =	vtrunc.f32 v10  }
0xaa: {  	v6 =	vld [tilespmem:s29+$0xFFFFFFD0];
	v0 =	vmov s30;
	v3 =	vmul.f32 $1.442695020e+00, v1;
	v2 =	vmul.f32 $1.442695020e+00, v8  }
0xab: {  	v7 =	vsub.f32 $0.0e+00, v7;
	v8 =	vtrunc.f32 v63;
	(erf) = vpow2.f32 v9  }
0xac: {  	v11 =	vshll.u32 v0, $0x9;
	v0 =	vshll.u32 v0, $0x7;
	v25 =	vcvt.f32.s32 v46  }
0xad: {  	v9 =	vld [tilespmem:s29+$0x0];
	v36 =	vcvt.f32.s32 v8;
	v13 =	vtrunc.f32 v5;
	v19 =	vand.u32 $0x3000, v11  }
0xae: {  	v8 =	vld [tilespmem:s29+$0xFFFFFFF0];
	v15 =	vand.u32 $0x380, v0;
	v1 =	vmul.f32 $1.442695020e+00, v7;
	v33 =	vadd.s32 $0x1, v25  }
0xaf: {  	v11 =	vld [tilespmem:s29+$0x20];
	v46 =	vshll.u32 v25, $0x3;
	v14 =	vtrunc.f32 v6;
	v12 =	vshll.u32 v36, $0x3  }
0xb0: {  	v7 =	vld [tilespmem:s29+$0xFFFFFFE0];
	v37 =	vadd.s32 $0x1, v36;
	v39 =	vand.u32 $0x7F, v36;
	v17 =	vcvt.s32.f32 v36  }
0xb1: {  	v12 =	vand.u32 $0xFFFFFC00, v12;
	v38 =	vshll.u32 v37, $0x3;
	v18 =	vand.u32 $0x7F, v37  }
0xb2: {  	v29 =	vcvt.f32.s32 v14;
	v12 =	vadd.s32 v19, v12;
	v0 =	vand.u32 $0xFFFFFC00, v38  }
0xb3: {  	v44 =	vtrunc.f32 v9;
	v16 =	vsub.f32 v63, v17;
	v12 =	vor.u32 v39, v12  }
0xb4: {  	v20 =	vadd.s32 v19, v0;
	v42 =	vtrunc.f32 v8;
	v48 =	vtrunc.f32 v11  }
0xb5: {  	v23 =	vcvt.f32.s32 v44;
	v28 =	vadd.s32 $0x1, v29;
	v40 =	vtrunc.f32 v7  }
0xb6: {  	v41 =	vor.u32 v15, v12;
	v12 =	vor.u32 v18, v20;
	v20 =	vcvt.f32.s32 v13  }
0xb7: {  	v18 =	vcvt.f32.s32 v42;
	v27 =	vcvt.f32.s32 v48;
	v51 =	vshll.u32 v28, $0x3  }
0xb8: {  	v16 =	vadd.f32 v16, v16;
	v28 =	vand.u32 $0x7F, v28;
	v45 =	vor.u32 v15, v12  }
0xb9: {  	v21 =	vcvt.f32.s32 v40;
	v32 =	vadd.s32 $0x1, v23;
	v40 =	vshll.u32 v33, $0x3  }
0xba: {  	v56 =	vand.u32 $0xFFFFFC00, v51;
	v33 =	vand.u32 $0x7F, v33;
	v26 =	vadd.s32 $0x1, v20  }
0xbb: {  	v0 =	vpop (erf);
	v31 =	vadd.s32 $0x1, v18;
	v35 =	vadd.s32 $0x1, v27;
	v54 =	vshll.u32 v32, $0x3  }
0xbc: {  	v43 =	vpop (erf);
	v55 =	vshll.u32 v20, $0x3;
	v44 =	vshll.u32 v18, $0x3;
	v60 =	vand.u32 $0xFFFFFC00, v40  }
0xbd: {  	v32 =	vand.u32 $0x7F, v32;
	v12 =	vadd.f32 $1.000000000e+00, v43;
	v30 =	vadd.s32 $0x1, v21  }
0xbe: {  	v50 =	vshll.u32 v26, $0x3;
	v53 =	vshll.u32 v31, $0x3;
	v42 =	vshll.u32 v35, $0x3  }
0xbf: {  	v43 =	vshll.u32 v21, $0x3;
	v59 =	vand.u32 $0xFFFFFC00, v54;
	v17 =	vand.u32 $0xFFFFFC00, v55  }
0xc0: {  	v47 =	vpop (erf);
	v48 =	vand.u32 $0xFFFFFC00, v44;
	v39 =	vadd.s32 v19, v60;
	v26 =	vand.u32 $0x7F, v26  }
0xc1: {  	v31 =	vand.u32 $0x7F, v31;
	v35 =	vand.u32 $0x7F, v35;
	v13 =	vadd.f32 $1.000000000e+00, v47  }
0xc2: {  	v52 =	vshll.u32 v30, $0x3;
	v34 =	vand.u32 $0xFFFFFC00, v50;
	v47 =	vshll.u32 v27, $0x3;
	v22 =	vld.idx.msk [tilespmem:v41+s11+$0x0], $0xffff  }
0xc3: {  	v58 =	vand.u32 $0xFFFFFC00, v53;
	v62 =	vand.u32 $0xFFFFFC00, v42;
	v63 =	vand.u32 $0xFFFFFC00, v43;
	v24 =	vld.idx.msk [tilespmem:v45+s11+$0x0], $0xffff  }
0xc4: {  	v50 =	vand.u32 $0xFFFFFC00, v46;
	v38 =	vadd.s32 v19, v59;
	v53 =	vadd.s32 v19, v48  }
0xc5: {  	v49 =	vpop (erf);
	v30 =	vand.u32 $0x7F, v30;
	v59 =	vand.u32 $0x7F, v18;
	v48 =	vand.u32 $0x7F, v23  }
0xc6: {  	v18 =	vcvt.s32.f32 v18;
	v14 =	vadd.f32 $1.000000000e+00, v49;
	v41 =	vshll.u32 v29, $0x3  }
0xc7: {  	v57 =	vand.u32 $0xFFFFFC00, v52;
	v51 =	vand.u32 $0xFFFFFC00, v47;
	v34 =	vadd.s32 v19, v34  }
0xc8: {  	v37 =	vadd.s32 v19, v58;
	v40 =	vadd.s32 v19, v62;
	v24 =	vsub.f32 v24, v22  }
0xc9: {  	v52 =	vadd.s32 v19, v63;
	v55 =	vadd.s32 v19, v50;
	v58 =	vand.u32 $0x7F, v21  }
0xca: {  	v50 =	vand.u32 $0x7F, v27;
	v62 =	vor.u32 v32, v38;
	v16 =	vmul.f32 v16, v24  }
0xcb: {  	v63 =	vor.u32 v33, v39;
	v21 =	vcvt.s32.f32 v21;
	v45 =	vshll.u32 v23, $0x3  }
0xcc: {  	v61 =	vand.u32 $0xFFFFFC00, v41;
	v36 =	vadd.s32 v19, v57;
	v16 =	vadd.f32 v16, v22  }
0xcd: {  	v57 =	vand.u32 $0x7F, v29;
	v26 =	vor.u32 v26, v34;
	v32 =	vor.u32 v15, v63  }
0xce: {  	v29 =	vcvt.s32.f32 v29;
	v23 =	vcvt.s32.f32 v23;
	v16 =	vsub.f32 $0.0e+00, v16  }
0xcf: {  	v8 =	vsub.f32 v8, v18;
	v49 =	vand.u32 $0xFFFFFC00, v45;
	v60 =	vor.u32 v30, v36  }
0xd0: {  	v26 =	vor.u32 v15, v26;
	v7 =	vsub.f32 v7, v21;
	v16 =	vmul.f32 $1.442695020e+00, v16  }
0xd1: {  	v54 =	vadd.s32 v19, v49;
	v49 =	vand.u32 $0x7F, v25;
	v25 =	vcvt.s32.f32 v25  }
0xd2: {  	v24 =	vadd.s32 v19, v56;
	v56 =	vand.u32 $0x7F, v20;
	(erf) = vpow2.f32 v16  }
0xd3: {  	v24 =	vor.u32 v28, v24;
	v28 =	vor.u32 v15, v60;
	v16 =	vadd.s32 v19, v17  }
0xd4: {  	s31 =	simm.s32 $0x5140;
	v6 =	vsub.f32 v6, v29;
	v24 =	vor.u32 v15, v24;
	v16 =	vor.u32 v56, v16  }
0xd5: {  	v18 =	vld [tilespmem:s31+$0x10];
	v20 =	vcvt.s32.f32 v20;
	v22 =	vor.u32 v58, v52;
	v16 =	vor.u32 v15, v16  }
0xd6: {  	v26 =	vld.idx.msk [tilespmem:v26+s11+$0x0], $0xffff;
	v52 =	vor.u32 v59, v53;
	v53 =	vor.u32 v48, v54;
	v54 =	vor.u32 v49, v55  }
0xd7: {  	v59 =	vld.idx.msk [tilespmem:v32+s11+$0x0], $0xffff;
	v17 =	vadd.s32 v19, v61;
	v61 =	vor.u32 v31, v37;
	v31 =	vor.u32 v15, v62  }
0xd8: {  	v28 =	vld.idx.msk [tilespmem:v28+s11+$0x0], $0xffff;
	v19 =	vadd.s32 v19, v51;
	v51 =	vor.u32 v35, v40;
	v30 =	vor.u32 v15, v61  }
0xd9: {  	v22 =	vor.u32 v15, v22;
	v24 =	vld.idx.msk [tilespmem:v24+s11+$0x0], $0xffff;
	v17 =	vor.u32 v57, v17;
	v55 =	vor.u32 v15, v51  }
0xda: {  	v58 =	vor.u32 v15, v54;
	v19 =	vor.u32 v50, v19;
	v17 =	vor.u32 v15, v17;
	v16 =	vld.idx.msk [tilespmem:v16+s11+$0x0], $0xffff  }
0xdb: {  	v56 =	vor.u32 v15, v52;
	v57 =	vor.u32 v15, v53;
	v15 =	vor.u32 v15, v19;
	v19 =	vld [tilespmem:s31+$0x20];
	v39 =	vpop (erf)  }
0xdc: {  	v5 =	vsub.f32 v5, v20;
	v31 =	vld.idx.msk [tilespmem:v31+s11+$0x0], $0xffff;
	v33 =	vadd.f32 $1.000000000e+00, v39  }
0xdd: {  	v9 =	vsub.f32 v9, v23;
	v10 =	vsub.f32 v10, v25;
	v30 =	vld.idx.msk [tilespmem:v30+s11+$0x0], $0xffff  }
0xde: {  	v5 =	vadd.f32 v5, v5;
	v61 =	vcvt.s32.f32 v27;
	v60 =	vld.idx.msk [tilespmem:v55+s11+$0x0], $0xffff;
	(erf) = vrcp.f32 v33  }
0xdf: {  	v55 =	vtrunc.f32 v18;
	v17 =	vld.idx.msk [tilespmem:v17+s11+$0x0], $0xffff;
	v62 =	vsub.f32 v26, v16;
	(erf) = vpow2.f32 v4  }
0xe0: {  	v32 =	vcvt.f32.s32 v55;
	v4 =	vsub.f32 v11, v61;
	v11 =	vld.idx.msk [tilespmem:v22+s11+$0x0], $0xffff;
	(erf) = vpow2.f32 v3  }
0xe1: {  	v3 =	vadd.f32 v6, v6;
	v6 =	vadd.f32 v7, v7;
	v7 =	vld.idx.msk [tilespmem:v56+s11+$0x0], $0xffff;
	v5 =	vmul.f32 v5, v62  }
0xe2: {  	(erf) = vpow2.f32 v2;
	v2 =	vadd.f32 v8, v8;
	v8 =	vadd.f32 v9, v9;
	v9 =	vld.idx.msk [tilespmem:v57+s11+$0x0], $0xffff  }
0xe3: {  	v41 =	vadd.s32 $0x1, v32;
	(erf) = vpow2.f32 v1;
	v1 =	vadd.f32 v10, v10;
	v10 =	vld.idx.msk [tilespmem:v58+s11+$0x0], $0xffff  }
0xe4: {  	v56 =	vtrunc.f32 v19;
	v62 =	vshll.u32 v41, $0x3;
	v5 =	vadd.f32 v5, v16;
	v16 =	vld [tilespmem:s31+$0xFFFFFFF0]  }
0xe5: {  	v41 =	vand.u32 $0x7F, v41;
	(erf) = vrcp.f32 v12;
	v12 =	vld.idx.msk [tilespmem:v15+s11+$0x0], $0xffff;
	v15 =	vsub.f32 v24, v17  }
0xe6: {  	v4 =	vadd.f32 v4, v4;
	(erf) = vrcp.f32 v13;
	v13 =	vsub.f32 v28, v11  }
0xe7: {  	v33 =	vcvt.f32.s32 v56;
	v5 =	vsub.f32 $0.0e+00, v5;
	v3 =	vmul.f32 v3, v15  }
0xe8: {  	(erf) = vrcp.f32 v14;
	v14 =	vsub.f32 v30, v7;
	v6 =	vmul.f32 v6, v13  }
0xe9: {  	v15 =	vld [tilespmem:s31+$0xFFFFFFE0];
	v13 =	vsub.f32 v31, v9;
	v5 =	vmul.f32 $1.442695020e+00, v5;
	v3 =	vadd.f32 v3, v17  }
0xea: {  	v2 =	vmul.f32 v2, v14;
	v14 =	vsub.f32 v59, v10;
	v51 =	vtrunc.f32 v16  }
0xeb: {  	v6 =	vadd.f32 v6, v11;
	v8 =	vmul.f32 v8, v13;
	v11 =	vsub.f32 v60, v12  }
0xec: {  	(erf) = vpow2.f32 v5;
	v27 =	vcvt.f32.s32 v51;
	v2 =	vadd.f32 v2, v7  }
0xed: {  	v17 =	vld [tilespmem:s31+$0x0];
	v1 =	vmul.f32 v1, v14;
	v3 =	vsub.f32 $0.0e+00, v3;
	v7 =	vadd.f32 v8, v9  }
0xee: {  	v4 =	vmul.f32 v4, v11;
	v6 =	vsub.f32 $0.0e+00, v6;
	v49 =	vtrunc.f32 v15  }
0xef: {  	v39 =	vadd.s32 $0x1, v27;
	v9 =	vadd.f32 v1, v10;
	v13 =	vmul.f32 $1.442695020e+00, v3  }
0xf0: {  	v2 =	vsub.f32 $0.0e+00, v2;
	v28 =	vcvt.f32.s32 v49;
	v60 =	vshll.u32 v39, $0x3  }
0xf1: {  	v8 =	vld [tilespmem:s31+$0xFFFFFFC0];
	v3 =	vadd.f32 v4, v12;
	v6 =	vmul.f32 $1.442695020e+00, v6;
	v7 =	vsub.f32 $0.0e+00, v7  }
0xf2: {  	v52 =	vtrunc.f32 v17;
	v10 =	vsub.f32 $0.0e+00, v9;
	v12 =	vmul.f32 $1.442695020e+00, v2  }
0xf3: {  	v63 =	vld [tilespmem:s31+$0x30];
	v1 =	vpop (erf);
	v30 =	vcvt.f32.s32 v52;
	v38 =	vadd.s32 $0x1, v28;
	v51 =	vshll.u32 v28, $0x3  }
0xf4: {  	v52 =	vshll.u32 v27, $0x3;
	v4 =	vpop (erf);
	v2 =	vsub.f32 $0.0e+00, v3;
	v14 =	vmul.f32 $1.442695020e+00, v7  }
0xf5: {  	v51 =	vand.u32 $0xFFFFFC00, v51;
	v52 =	vand.u32 $0xFFFFFC00, v52;
	v4 =	vadd.f32 $1.000000000e+00, v4  }
0xf6: {  	v11 =	vmul.f32 $1.442695020e+00, v10;
	v43 =	vtrunc.f32 v8;
	v40 =	vadd.s32 $0x1, v30;
	v3 =	vpop (erf)  }
0xf7: {  	v10 =	vmul.f32 $1.442695020e+00, v2;
	v35 =	vcvt.f32.s32 v43;
	v43 =	vadd.s32 $0x1, v33;
	v5 =	vpop (erf)  }
0xf8: {  	s17 =	simm.s32 $0x2;
	(erf) = vpow2.f32 v13;
	v2 =	vadd.f32 $1.000000000e+00, v5;
	v5 =	vtrunc.f32 v63  }
0xf9: {  	(erf) = vpow2.f32 v6;
	v6 =	vmov s17;
	v44 =	vcvt.f32.s32 v5  }
0xfa: {  	v61 =	vshll.u32 v40, $0x3;
	v5 =	vshll.u32 v6, $0x9;
	v6 =	vshll.u32 v6, $0x7  }
0xfb: {  	v9 =	vld [tilespmem:s31+$0xFFFFFFD0];
	v20 =	vand.u32 $0x380, v6;
	v6 =	vshll.u32 v44, $0x3;
	v13 =	vadd.s32 $0x1, v44  }
0xfc: {  	v26 =	vand.u32 $0x3000, v5;
	v5 =	vand.u32 $0xFFFFFC00, v6;
	v6 =	vshll.u32 v13, $0x3  }
0xfd: {  	v47 =	vand.u32 $0x7F, v44;
	v5 =	vadd.s32 v26, v5;
	v6 =	vand.u32 $0xFFFFFC00, v6  }
0xfe: {  	v13 =	vand.u32 $0x7F, v13;
	v5 =	vor.u32 v47, v5;
	v48 =	vadd.s32 v26, v6  }
0xff: {  	v3 =	vadd.f32 $1.000000000e+00, v3;
	v50 =	vor.u32 v20, v5;
	v13 =	vor.u32 v13, v48  }
0x100: {  	v45 =	vtrunc.f32 v9;
	v34 =	vadd.s32 $0x1, v35;
	v53 =	vor.u32 v20, v13  }
0x101: {  	v36 =	vcvt.f32.s32 v45;
	v59 =	vshll.u32 v34, $0x3;
	v45 =	vand.u32 $0xFFFFFC00, v60  }
0x102: {  	v34 =	vand.u32 $0x7F, v34;
	v60 =	vand.u32 $0x7F, v38;
	v42 =	vand.u32 $0xFFFFFC00, v59  }
0x103: {  	v59 =	vshll.u32 v33, $0x3;
	v37 =	vadd.s32 $0x1, v36;
	v25 =	vcvt.s32.f32 v44  }
0x104: {  	v56 =	vshll.u32 v36, $0x3;
	v42 =	vadd.s32 v26, v42;
	v45 =	vadd.s32 v26, v45;
	v29 =	vld.idx.msk [tilespmem:v50+s11+$0x0], $0xffff  }
0x105: {  	v44 =	vshll.u32 v37, $0x3;
	v49 =	vand.u32 $0xFFFFFC00, v56;
	v37 =	vand.u32 $0x7F, v37;
	v31 =	vld.idx.msk [tilespmem:v53+s11+$0x0], $0xffff  }
0x106: {  	v34 =	vor.u32 v34, v42;
	v56 =	vand.u32 $0x7F, v28;
	v28 =	vcvt.s32.f32 v28  }
0x107: {  	v24 =	vsub.f32 v63, v25;
	v25 =	vshll.u32 v38, $0x3;
	v63 =	vshll.u32 v35, $0x3  }
0x108: {  	v44 =	vand.u32 $0xFFFFFC00, v44;
	v34 =	vor.u32 v20, v34;
	v25 =	vand.u32 $0xFFFFFC00, v25  }
0x109: {  	v47 =	vand.u32 $0xFFFFFC00, v62;
	v44 =	vadd.s32 v26, v44;
	v62 =	vand.u32 $0x7F, v40  }
0x10a: {  	v24 =	vadd.f32 v24, v24;
	v48 =	vand.u32 $0xFFFFFC00, v63;
	v31 =	vsub.f32 v31, v29  }
0x10b: {  	v25 =	vadd.s32 v26, v25;
	v47 =	vadd.s32 v26, v47;
	v63 =	vand.u32 $0x7F, v35  }
0x10c: {  	v46 =	vpop (erf);
	v37 =	vor.u32 v37, v44;
	v35 =	vcvt.s32.f32 v35;
	v24 =	vmul.f32 v24, v31  }
0x10d: {  	v13 =	vadd.f32 $1.000000000e+00, v46;
	v46 =	vand.u32 $0xFFFFFC00, v61;
	v61 =	vand.u32 $0x7F, v39  }
0x10e: {  	v7 =	vpop (erf);
	v25 =	vor.u32 v60, v25;
	v60 =	vand.u32 $0x7F, v33;
	v24 =	vadd.f32 v24, v29  }
0x10f: {  	v6 =	vpop (erf);
	v41 =	vor.u32 v41, v47;
	v37 =	vor.u32 v20, v37;
	v46 =	vadd.s32 v26, v46  }
0x110: {  	v5 =	vpop (erf);
	v38 =	vor.u32 v61, v45;
	v25 =	vor.u32 v20, v25;
	v24 =	vsub.f32 $0.0e+00, v24  }
0x111: {  	v41 =	vor.u32 v20, v41;
	v8 =	vsub.f32 v8, v35;
	v54 =	vpop (erf);
	v39 =	vor.u32 v62, v46  }
0x112: {  	v38 =	vor.u32 v20, v38;
	v57 =	vpop (erf);
	v22 =	vadd.f32 $1.000000000e+00, v54;
	v24 =	vmul.f32 $1.442695020e+00, v24  }
0x113: {  	v39 =	vor.u32 v20, v39;
	v8 =	vadd.f32 v8, v8;
	v23 =	vadd.f32 $1.000000000e+00, v57  }
0x114: {  	v58 =	vpop (erf);
	v57 =	vshll.u32 v43, $0x3;
	v43 =	vand.u32 $0x7F, v43;
	(erf) = vpow2.f32 v24  }
0x115: {  	v21 =	vadd.f32 $1.000000000e+00, v58;
	v58 =	vshll.u32 v30, $0x3;
	v50 =	vand.u32 $0xFFFFFC00, v57  }
0x116: {  	v53 =	vshll.u32 v32, $0x3;
	v57 =	vand.u32 $0x7F, v27;
	v50 =	vadd.s32 v26, v50  }
0x117: {  	v53 =	vand.u32 $0xFFFFFC00, v53;
	v62 =	vor.u32 v43, v50;
	v24 =	vadd.s32 v26, v48  }
0x118: {  	v40 =	vor.u32 v20, v62;
	v31 =	vand.u32 $0xFFFFFC00, v58;
	v24 =	vor.u32 v63, v24  }
0x119: {  	v48 =	vadd.s32 v26, v49;
	v49 =	vadd.s32 v26, v51;
	v24 =	vor.u32 v20, v24  }
0x11a: {  	v58 =	vand.u32 $0x7F, v30;
	v51 =	vadd.s32 v26, v52;
	v42 =	vor.u32 v56, v49  }
0x11b: {  	v31 =	vadd.s32 v26, v31;
	v44 =	vor.u32 v57, v51;
	v42 =	vor.u32 v20, v42  }
0x11c: {  	v34 =	vld.idx.msk [tilespmem:v34+s11+$0x0], $0xffff;
	v29 =	vand.u32 $0xFFFFFC00, v59;
	v59 =	vand.u32 $0x7F, v32;
	v44 =	vor.u32 v20, v44  }
0x11d: {  	v25 =	vld.idx.msk [tilespmem:v25+s11+$0x0], $0xffff;
	v52 =	vadd.s32 v26, v53;
	v26 =	vadd.s32 v26, v29;
	v53 =	vand.u32 $0x7F, v36;
	v61 =	vpop (erf)  }
0x11e: {  	v29 =	vor.u32 v58, v31;
	v36 =	vcvt.s32.f32 v36;
	v57 =	vld.idx.msk [tilespmem:v24+s11+$0x0], $0xffff;
	v63 =	vadd.f32 $1.000000000e+00, v61  }
0x11f: {  	v48 =	vor.u32 v53, v48;
	v50 =	vor.u32 v59, v52;
	v26 =	vor.u32 v60, v26;
	v53 =	vld.idx.msk [tilespmem:v38+s11+$0x0], $0xffff  }
0x120: {  	v29 =	vor.u32 v20, v29;
	v51 =	vor.u32 v20, v48;
	v59 =	vld.idx.msk [tilespmem:v42+s11+$0x0], $0xffff;
	(erf) = vrcp.f32 v63  }
0x121: {  	v52 =	vcvt.s32.f32 v27;
	v31 =	vor.u32 v20, v50;
	v60 =	vld.idx.msk [tilespmem:v44+s11+$0x0], $0xffff;
	(erf) = vpow2.f32 v12  }
0x122: {  	s18 =	simm.s32 $0x60C0;
	v20 =	vor.u32 v20, v26;
	v9 =	vsub.f32 v9, v36;
	(erf) = vpow2.f32 v14  }
0x123: {  	s19 =	simm.s32 $0x6040;
	[tilespmem:s18+$0x30] =	vst v1;
	v1 =	vsub.f32 v34, v57;
	v12 =	vcvt.s32.f32 v30;
	(erf) = vpow2.f32 v11  }
0x124: {  	[tilespmem:s19+$0xFFFFFFC0] =	vst v7;
	v37 =	vld.idx.msk [tilespmem:v37+s11+$0x0], $0xffff;
	v9 =	vadd.f32 v9, v9;
	v14 =	vcvt.s32.f32 v32;
	(erf) = vpow2.f32 v10  }
0x125: {  	[tilespmem:s19+$0xFFFFFFD0] =	vst v6;
	v58 =	vld.idx.msk [tilespmem:v51+s11+$0x0], $0xffff;
	v7 =	vsub.f32 v25, v59;
	v6 =	vmul.f32 v8, v1;
	(erf) = vrcp.f32 v22  }
0x126: {  	v55 =	vld.idx.msk [tilespmem:v41+s11+$0x0], $0xffff;
	v8 =	vsub.f32 v53, v60;
	v11 =	vsub.f32 v15, v28;
	(erf) = vrcp.f32 v23  }
0x127: {  	v54 =	vld.idx.msk [tilespmem:v39+s11+$0x0], $0xffff;
	v15 =	vcvt.s32.f32 v33;
	v12 =	vsub.f32 v17, v12;
	(erf) = vrcp.f32 v21  }
0x128: {  	v63 =	vld.idx.msk [tilespmem:v31+s11+$0x0], $0xffff;
	v10 =	vsub.f32 v16, v52;
	v14 =	vsub.f32 v18, v14;
	(erf) = vrcp.f32 v4  }
0x129: {  	v62 =	vld.idx.msk [tilespmem:v29+s11+$0x0], $0xffff;
	v6 =	vadd.f32 v6, v57;
	v15 =	vsub.f32 v19, v15;
	v61 =	vpop (erf);
	(erf) = vrcp.f32 v3  }
0x12a: {  	[tilespmem:s19+$0x30] =	vst v0;
	v56 =	vld.idx.msk [tilespmem:v40+s11+$0x0], $0xffff;
	v11 =	vadd.f32 v11, v11;
	v0 =	vpop (erf);
	(erf) = vrcp.f32 v2;
	v2 =	vsub.f32 v37, v58  }
0x12b: {  	v12 =	vadd.f32 v12, v12;
	v10 =	vadd.f32 v10, v10;
	v4 =	vld.idx.msk [tilespmem:v20+s11+$0x0], $0xffff;
	v3 =	vpop (erf);
	(erf) = vrcp.f32 v13  }
0x12c: {  	[tilespmem:s19+$0xFFFFFFE0] =	vst v5;
	v14 =	vadd.f32 v14, v14;
	v1 =	vadd.f32 $1.000000000e+00, v3;
	v3 =	vpop (erf);
	v5 =	vmul.f32 v9, v2  }
0x12d: {  	s20 =	simm.s32 $0x6140;
	v8 =	vmul.f32 v10, v8;
	v10 =	vsub.f32 v55, v63;
	v2 =	vadd.f32 $1.000000000e+00, v3;
	v3 =	vpop (erf)  }
0x12e: {  	v7 =	vmul.f32 v11, v7;
	[tilespmem:s20+$0x30] =	vst v61;
	v9 =	vsub.f32 v54, v62;
	v11 =	vpop (erf);
	v5 =	vadd.f32 v5, v58  }
0x12f: {  	v15 =	vadd.f32 v15, v15;
	v0 =	vadd.f32 $1.000000000e+00, v0;
	[tilespmem:s18+$0xFFFFFFC0] =	vst v11;
	v11 =	vpop (erf)  }
0x130: {  	v13 =	vadd.f32 v7, v59;
	v7 =	vmul.f32 v12, v9;
	v9 =	vsub.f32 v56, v4;
	[tilespmem:s18+$0xFFFFFFD0] =	vst v11;
	v11 =	vpop (erf)  }
0x131: {  	v14 =	vmul.f32 v14, v10;
	v12 =	vsub.f32 $0.0e+00, v6;
	v6 =	vadd.f32 v8, v60;
	[tilespmem:s18+$0xFFFFFFE0] =	vst v11;
	v10 =	vpop (erf)  }
0x132: {  	v7 =	vadd.f32 v7, v62;
	v8 =	vmul.f32 v15, v9;
	v11 =	vsub.f32 $0.0e+00, v5;
	[tilespmem:s19+$0xFFFFFFF0] =	vst v10;
	v5 =	vpop (erf)  }
0x133: {  	s21 =	simm.s32 $0x10;
	s22 =	simm.s32 $0x51C0;
	v9 =	vadd.f32 v14, v63;
	v10 =	vmul.f32 $1.442695020e+00, v12;
	v12 =	vsub.f32 $0.0e+00, v13;
	[tilespmem:s19+$0x0] =	vst v5;
	v5 =	vpop (erf)  }
.LBB2_4:
0x134: {  	v26 =	vld [tilespmem:s22+$0x30];
	s21 =	sadd.s32 $0x8, s21;
	v13 =	vmul.f32 $1.442695020e+00, v11;
	v6 =	vsub.f32 $0.0e+00, v6;
	v4 =	vadd.f32 v8, v4;
	[tilespmem:s19+$0x10] =	vst v5;
	v5 =	vpop (erf)  }
0x135: {  	v7 =	vsub.f32 $0.0e+00, v7;
	v8 =	vld [tilespmem:s22+$0xFFFFFFC0];
	p0 =	slt.u32 s21, $0xC8;
	v14 =	vmul.f32 $1.442695020e+00, v12;
	v12 =	vsub.f32 $0.0e+00, v9;
	[tilespmem:s19+$0x20] =	vst v5;
	s19 =	smov.u32 s18;
	s18 =	smov.u32 s20  }
0x136: {  	v9 =	vld [tilespmem:s22+$0xFFFFFFD0];
	v6 =	vmul.f32 $1.442695020e+00, v6;
	v4 =	vsub.f32 $0.0e+00, v4;
	(erf) = vpow2.f32 v10  }
0x137: {  	v3 =	vadd.f32 $1.000000000e+00, v3;
	v7 =	vmul.f32 $1.442695020e+00, v7;
	v11 =	vld [tilespmem:s22+$0xFFFFFFE0];
	v5 =	vmul.f32 $1.442695020e+00, v12  }
0x138: {  	v10 =	vld [tilespmem:s22+$0xFFFFFFF0];
	v4 =	vmul.f32 $1.442695020e+00, v4;
	(erf) = vpow2.f32 v13  }
0x139: {  	s17 =	sadd.s32 $0x1, s17;
	v12 =	vld [tilespmem:s22+$0x0];
	v15 =	vtrunc.f32 v26;
	(erf) = vpow2.f32 v14  }
0x13a: {  	v14 =	vmov s17;
	v16 =	vtrunc.f32 v8;
	v13 =	vld [tilespmem:s22+$0x10];
	v27 =	vcvt.f32.s32 v15  }
0x13b: {  	v15 =	vshll.u32 v14, $0x9;
	v17 =	vshll.u32 v14, $0x7;
	v19 =	vtrunc.f32 v9;
	v14 =	vld [tilespmem:s22+$0x20]  }
0x13c: {  	v18 =	vand.u32 $0x380, v17;
	v17 =	vshll.u32 v27, $0x3;
	v20 =	vadd.s32 $0x1, v27  }
0x13d: {  	v28 =	vand.u32 $0x3000, v15;
	v15 =	vand.u32 $0xFFFFFC00, v17;
	v17 =	vshll.u32 v20, $0x3  }
0x13e: {  	v22 =	vand.u32 $0x7F, v27;
	v15 =	vadd.s32 v28, v15;
	v17 =	vand.u32 $0xFFFFFC00, v17  }
0x13f: {  	v25 =	vand.u32 $0x7F, v20;
	v15 =	vor.u32 v22, v15;
	v17 =	vadd.s32 v28, v17;
	v21 =	vpop (erf)  }
0x140: {  	v22 =	vtrunc.f32 v11;
	v24 =	vor.u32 v18, v15;
	v15 =	vor.u32 v25, v17  }
0x141: {  	v23 =	vtrunc.f32 v12;
	v17 =	vtrunc.f32 v10;
	v29 =	vor.u32 v18, v15;
	v20 =	vpop (erf)  }
0x142: {  	v30 =	vtrunc.f32 v13;
	v31 =	vtrunc.f32 v14;
	v15 =	vadd.f32 $1.000000000e+00, v21;
	v32 =	vpop (erf)  }
0x143: {  	v19 =	vcvt.f32.s32 v19;
	v25 =	vcvt.f32.s32 v16;
	v16 =	vadd.f32 $1.000000000e+00, v20  }
0x144: {  	v21 =	vcvt.f32.s32 v17;
	v20 =	vcvt.f32.s32 v22;
	v17 =	vadd.f32 $1.000000000e+00, v32  }
0x145: {  	v22 =	vcvt.f32.s32 v23;
	v23 =	vcvt.f32.s32 v30;
	v32 =	vadd.s32 $0x1, v25;
	v30 =	vld.idx.msk [tilespmem:v24+s11+$0x0], $0xffff  }
0x146: {  	v33 =	vadd.s32 $0x1, v19;
	v34 =	vadd.s32 $0x1, v20;
	v24 =	vcvt.f32.s32 v31;
	v29 =	vld.idx.msk [tilespmem:v29+s11+$0x0], $0xffff  }
0x147: {  	v35 =	vadd.s32 $0x1, v22;
	v36 =	vadd.s32 $0x1, v23;
	v31 =	vadd.s32 $0x1, v21  }
0x148: {  	v27 =	vcvt.s32.f32 v27;
	v37 =	vshll.u32 v32, $0x3;
	v38 =	vadd.s32 $0x1, v24  }
0x149: {  	v39 =	vshll.u32 v33, $0x3;
	v40 =	vshll.u32 v34, $0x3;
	v41 =	vshll.u32 v31, $0x3  }
0x14a: {  	v26 =	vsub.f32 v26, v27;
	v42 =	vshll.u32 v35, $0x3;
	v43 =	vshll.u32 v36, $0x3  }
0x14b: {  	v44 =	vshll.u32 v19, $0x3;
	v27 =	vshll.u32 v25, $0x3;
	v45 =	vshll.u32 v38, $0x3  }
0x14c: {  	v26 =	vadd.f32 v26, v26;
	v46 =	vshll.u32 v20, $0x3;
	v29 =	vsub.f32 v29, v30  }
0x14d: {  	v47 =	vshll.u32 v21, $0x3;
	v48 =	vshll.u32 v22, $0x3;
	v49 =	vshll.u32 v23, $0x3  }
0x14e: {  	v37 =	vand.u32 $0xFFFFFC00, v37;
	v50 =	vshll.u32 v24, $0x3;
	v26 =	vmul.f32 v26, v29  }
0x14f: {  	v29 =	vand.u32 $0xFFFFFC00, v39;
	v39 =	vand.u32 $0xFFFFFC00, v40;
	v40 =	vand.u32 $0xFFFFFC00, v41  }
0x150: {  	v41 =	vand.u32 $0xFFFFFC00, v42;
	v42 =	vand.u32 $0xFFFFFC00, v43;
	v26 =	vadd.f32 v26, v30  }
0x151: {  	v27 =	vand.u32 $0xFFFFFC00, v27;
	v43 =	vand.u32 $0xFFFFFC00, v45;
	v30 =	vand.u32 $0xFFFFFC00, v44  }
0x152: {  	v45 =	vand.u32 $0xFFFFFC00, v47;
	v44 =	vand.u32 $0xFFFFFC00, v46;
	v26 =	vsub.f32 $0.0e+00, v26  }
0x153: {  	v47 =	vand.u32 $0xFFFFFC00, v49;
	v46 =	vand.u32 $0xFFFFFC00, v48;
	v48 =	vand.u32 $0xFFFFFC00, v50  }
0x154: {  	v37 =	vadd.s32 v28, v37;
	v29 =	vadd.s32 v28, v29;
	v26 =	vmul.f32 $1.442695020e+00, v26  }
0x155: {  	v39 =	vadd.s32 v28, v39;
	v40 =	vadd.s32 v28, v40;
	v41 =	vadd.s32 v28, v41  }
0x156: {  	v42 =	vadd.s32 v28, v42;
	v43 =	vadd.s32 v28, v43;
	(erf) = vpow2.f32 v26  }
0x157: {  	v26 =	vadd.s32 v28, v27;
	v27 =	vadd.s32 v28, v30;
	v30 =	vadd.s32 v28, v44  }
0x158: {  	v44 =	vadd.s32 v28, v45;
	v45 =	vadd.s32 v28, v46;
	v46 =	vadd.s32 v28, v47  }
0x159: {  	v33 =	vand.u32 $0x7F, v33;
	v32 =	vand.u32 $0x7F, v32;
	v28 =	vadd.s32 v28, v48  }
0x15a: {  	v34 =	vand.u32 $0x7F, v34;
	v35 =	vand.u32 $0x7F, v35;
	v31 =	vand.u32 $0x7F, v31  }
0x15b: {  	v36 =	vand.u32 $0x7F, v36;
	v38 =	vand.u32 $0x7F, v38;
	v47 =	vand.u32 $0x7F, v25  }
0x15c: {  	v49 =	vand.u32 $0x7F, v20;
	v50 =	vand.u32 $0x7F, v21;
	v48 =	vand.u32 $0x7F, v19  }
0x15d: {  	v51 =	vand.u32 $0x7F, v22;
	v52 =	vand.u32 $0x7F, v23;
	v53 =	vand.u32 $0x7F, v24  }
0x15e: {  	v32 =	vor.u32 v32, v37;
	v29 =	vor.u32 v33, v29;
	v33 =	vor.u32 v34, v39  }
0x15f: {  	v31 =	vor.u32 v31, v40;
	v34 =	vor.u32 v35, v41;
	v35 =	vor.u32 v36, v42;
	v36 =	vpop (erf)  }
0x160: {  	v37 =	vor.u32 v38, v43;
	v26 =	vor.u32 v47, v26;
	v36 =	vadd.f32 $1.000000000e+00, v36  }
0x161: {  	v27 =	vor.u32 v48, v27;
	v30 =	vor.u32 v49, v30;
	v38 =	vor.u32 v50, v44  }
0x162: {  	v39 =	vor.u32 v51, v45;
	v40 =	vor.u32 v52, v46;
	(erf) = vrcp.f32 v36  }
0x163: {  	v32 =	vor.u32 v18, v32;
	v29 =	vor.u32 v18, v29;
	v28 =	vor.u32 v53, v28  }
0x164: {  	v33 =	vor.u32 v18, v33;
	v31 =	vor.u32 v18, v31;
	v34 =	vor.u32 v18, v34  }
0x165: {  	v35 =	vor.u32 v18, v35;
	v26 =	vor.u32 v18, v26;
	v36 =	vor.u32 v18, v37  }
0x166: {  	v27 =	vor.u32 v18, v27;
	v30 =	vor.u32 v18, v30;
	v37 =	vor.u32 v18, v38  }
0x167: {  	v38 =	vor.u32 v18, v39;
	v39 =	vor.u32 v18, v40;
	v18 =	vor.u32 v18, v28  }
0x168: {  	v25 =	vcvt.s32.f32 v25;
	v19 =	vcvt.s32.f32 v19;
	v28 =	vld.idx.msk [tilespmem:v32+s11+$0x0], $0xffff  }
0x169: {  	v20 =	vcvt.s32.f32 v20;
	v21 =	vcvt.s32.f32 v21;
	v29 =	vld.idx.msk [tilespmem:v29+s11+$0x0], $0xffff  }
0x16a: {  	v22 =	vcvt.s32.f32 v22;
	v23 =	vcvt.s32.f32 v23;
	v8 =	vsub.f32 v8, v25;
	v25 =	vld.idx.msk [tilespmem:v33+s11+$0x0], $0xffff  }
0x16b: {  	s20 =	sadd.s32 $0x80, s20;
	v11 =	vsub.f32 v11, v20;
	v20 =	vcvt.s32.f32 v24;
	v9 =	vsub.f32 v9, v19;
	v19 =	vld.idx.msk [tilespmem:v31+s11+$0x0], $0xffff;
	v24 =	vpop (erf)  }
0x16c: {  	v12 =	vsub.f32 v12, v22;
	v10 =	vsub.f32 v10, v21;
	v21 =	vld.idx.msk [tilespmem:v34+s11+$0x0], $0xffff;
	[tilespmem:s20+$0x30] =	vst v24;
	(erf) = vpow2.f32 v6  }
0x16d: {  	v14 =	vsub.f32 v14, v20;
	v6 =	vsub.f32 v13, v23;
	v13 =	vld.idx.msk [tilespmem:v35+s11+$0x0], $0xffff;
	(erf) = vpow2.f32 v7  }
0x16e: {  	v7 =	vadd.f32 v8, v8;
	v8 =	vadd.f32 v9, v9;
	v9 =	vld.idx.msk [tilespmem:v36+s11+$0x0], $0xffff;
	(erf) = vpow2.f32 v5  }
0x16f: {  	v11 =	vadd.f32 v11, v11;
	v10 =	vadd.f32 v10, v10;
	v5 =	vld.idx.msk [tilespmem:v26+s11+$0x0], $0xffff;
	(erf) = vpow2.f32 v4  }
0x170: {  	v12 =	vadd.f32 v12, v12;
	v22 =	vadd.f32 v6, v6;
	v20 =	vld.idx.msk [tilespmem:v27+s11+$0x0], $0xffff;
	(erf) = vrcp.f32 v15  }
0x171: {  	v14 =	vadd.f32 v14, v14;
	v6 =	vld.idx.msk [tilespmem:v30+s11+$0x0], $0xffff;
	(erf) = vrcp.f32 v16  }
0x172: {  	v15 =	vld.idx.msk [tilespmem:v37+s11+$0x0], $0xffff;
	(erf) = vrcp.f32 v17  }
0x173: {  	v16 =	vld.idx.msk [tilespmem:v38+s11+$0x0], $0xffff;
	(erf) = vrcp.f32 v0  }
0x174: {  	v17 =	vld.idx.msk [tilespmem:v39+s11+$0x0], $0xffff;
	(erf) = vrcp.f32 v1  }
0x175: {  	v1 =	vsub.f32 v28, v5;
	v4 =	vld.idx.msk [tilespmem:v18+s11+$0x0], $0xffff;
	v0 =	vpop (erf);
	(erf) = vrcp.f32 v2  }
0x176: {  	v2 =	vsub.f32 v29, v20;
	v0 =	vadd.f32 $1.000000000e+00, v0;
	v18 =	vpop (erf);
	(erf) = vrcp.f32 v3  }
0x177: {  	v7 =	vmul.f32 v7, v1;
	v23 =	vsub.f32 v25, v6;
	v1 =	vadd.f32 $1.000000000e+00, v18;
	v3 =	vpop (erf)  }
0x178: {  	v8 =	vmul.f32 v8, v2;
	v24 =	vsub.f32 v19, v15;
	v2 =	vadd.f32 $1.000000000e+00, v3;
	v3 =	vpop (erf)  }
0x179: {  	v5 =	vadd.f32 v7, v5;
	v7 =	vmul.f32 v11, v23;
	v21 =	vsub.f32 v21, v16;
	v19 =	vpop (erf)  }
.Ltmp1:
0x17a: {  	v8 =	vadd.f32 v8, v20;
	v20 =	vmul.f32 v10, v24;
	v13 =	vsub.f32 v13, v17;
	[tilespmem:s18+$0xFFFFFFC0] =	vst v19;
	v18 =	vpop (erf);
	(pc) =	sbr.rel @p0 .LBB2_4-.Ltmp1, $4  }
0x17b: {  	v19 =	vadd.f32 v7, v6;
	v7 =	vmul.f32 v12, v21;
	v9 =	vsub.f32 v9, v4;
	[tilespmem:s18+$0xFFFFFFD0] =	vst v18;
	v11 =	vpop (erf)  }
0x17c: {  	v18 =	vsub.f32 $0.0e+00, v5;
	v6 =	vadd.f32 v20, v15;
	v13 =	vmul.f32 v22, v13;
	[tilespmem:s18+$0xFFFFFFE0] =	vst v11;
	v10 =	vpop (erf)  }
0x17d: {  	v11 =	vsub.f32 $0.0e+00, v8;
	v7 =	vadd.f32 v7, v16;
	v8 =	vmul.f32 v14, v9;
	[tilespmem:s19+$0xFFFFFFF0] =	vst v10;
	v14 =	vpop (erf)  }
0x17e: {  	s22 =	sadd.s32 $0x80, s22;
	v12 =	vsub.f32 $0.0e+00, v19;
	v10 =	vmul.f32 $1.442695020e+00, v18;
	v9 =	vadd.f32 v13, v17;
	[tilespmem:s19+$0x0] =	vst v14;
	v5 =	vpop (erf)  }
0x17f: {  	v11 =	vmul.f32 $1.442695020e+00, v11  }
0x180: {  	v12 =	vmul.f32 $1.442695020e+00, v12;
	(erf) = vpow2.f32 v10  }
0x181: {  	(erf) = vpow2.f32 v11  }
0x182: {  	(erf) = vpow2.f32 v12  }
0x183: {  	v6 =	vsub.f32 $0.0e+00, v6  }
0x184: {  	v4 =	vadd.f32 v8, v4;
	v7 =	vsub.f32 $0.0e+00, v7  }
0x185: {  	v41 =	vsub.f32 $0.0e+00, v9;
	v6 =	vmul.f32 $1.442695020e+00, v6  }
0x186: {  	v4 =	vsub.f32 $0.0e+00, v4;
	v7 =	vmul.f32 $1.442695020e+00, v7  }
0x187: {  	v8 =	vmul.f32 $1.442695020e+00, v41;
	(erf) = vpow2.f32 v6  }
0x188: {  	v42 =	vpop (erf);
	v4 =	vmul.f32 $1.442695020e+00, v4;
	(erf) = vpow2.f32 v7  }
0x189: {  	v43 =	vpop (erf);
	(erf) = vpow2.f32 v8  }
0x18a: {  	v44 =	vpop (erf);
	v7 =	vadd.f32 $1.000000000e+00, v43;
	(erf) = vpow2.f32 v4  }
0x18b: {  	v45 =	vpop (erf);
	v8 =	vadd.f32 $1.000000000e+00, v44  }
0x18c: {  	v4 =	vadd.f32 $1.000000000e+00, v45;
	(erf) = vrcp.f32 v7  }
0x18d: {  	(erf) = vrcp.f32 v8  }
0x18e: {  	(erf) = vrcp.f32 v4  }
0x18f: {  	(erf) = vrcp.f32 v0  }
0x190: {  	v46 =	vadd.f32 $1.000000000e+00, v3;
	v47 =	vpop (erf);
	(erf) = vrcp.f32 v1  }
0x191: {  	v48 =	vpop (erf);
	v1 =	vadd.f32 $1.000000000e+00, v47;
	(erf) = vrcp.f32 v2  }
0x192: {  	v49 =	vadd.f32 $1.000000000e+00, v48;
	(erf) = vrcp.f32 v46;
	v50 =	vpop (erf)  }
0x193: {  	v2 =	vadd.f32 $1.000000000e+00, v50;
	v51 =	vpop (erf);
	(erf) = vrcp.f32 v1  }
0x194: {  	[tilespmem:s19+$0x10] =	vst v5;
	v52 =	vadd.f32 $1.000000000e+00, v51;
	(erf) = vrcp.f32 v49  }
0x195: {  	[tilespmem:s19+$0x20] =	vst v42;
	v53 =	vpop (erf);
	(erf) = vrcp.f32 v2  }
0x196: {  	[tilespmem:s20+$0xFFFFFFC0] =	vst v53;
	v54 =	vpop (erf);
	(erf) = vrcp.f32 v52  }
0x197: {  	[tilespmem:s20+$0xFFFFFFD0] =	vst v54;
	v55 =	vpop (erf)  }
0x198: {  	[tilespmem:s20+$0xFFFFFFE0] =	vst v55;
	v56 =	vpop (erf)  }
0x199: {  	[tilespmem:s18+$0xFFFFFFF0] =	vst v56;
	v57 =	vpop (erf)  }
0x19a: {  	[tilespmem:s18+$0x0] =	vst v57;
	v58 =	vpop (erf)  }
0x19b: {  	[tilespmem:s18+$0x10] =	vst v58;
	v59 =	vpop (erf)  }
0x19c: {  	[tilespmem:s18+$0x20] =	vst v59;
	v60 =	vpop (erf)  }
0x19d: {  	[tilespmem:s20+$0xFFFFFFF0] =	vst v60;
	v61 =	vpop (erf)  }
0x19e: {  	[tilespmem:s20+$0x0] =	vst v61;
	v62 =	vpop (erf)  }
0x19f: {  	s16 =	sadd.s32 $0x1, s16;
	[tilespmem:s20+$0x10] =	vst v62;
	v63 =	vpop (erf)  }
0x1a0: {  	p0 =	sne.s32 s16, s7;
	[tilespmem:s20+$0x20] =	vst v63  }
0x1a1: {  	[hbm4b:s6+s8] =	stream.strided.scatter [tilespmem:s13], [sflag:$0x2], $0xC00, s9, s8, $0x38;
	[tilespmem:$0x7000] =	vst v63  }
.Ltmp2:
0x1a2: {  	s17 =	sadd.s32 $0x3000, s6;
	(pc) =	sbr.rel @p0 .LBB2_1-.Ltmp2, $4  }
0x1a3: {  	[hbm4b:s17+s2] =	stream.linear.scatter [tilespmem:s14], [sflag:$0x2], $0x100, $0x38;
	[tilespmem:$0x7000] =	vst v63  }
0x1a4: {  	_ =	swait.ge [sflag:s15], $0xD00  }
0x1a5: {  	[sflag:s15] =	ssyncset.done $0x0  }
0x1a6: {  	[sflag:s15] =	ssyncadd.s32 $0xFFFFF300  }
0x1a7: {  	_ =	sfence.sel $0x180000  }
0x1a8: {  	[bflag:$0x0] =	sbarrier.arrive $0xFFFF  }
0x1a9: {  	p0 =	sne.s32 s1, $0x0;
	_ =	strace $0x90000047  }
0x1aa: {  	s0 =	sadd.s32 @!p0 $0x100000, s0;
	[bflag:$0x2] =	sbarrier.arrive $0xFFFF  }
0x1ab: {  	[sflag:s0] =	ssyncadd.tile.s32 @!p0 $0x1;
	_ =	shalt  }
.Lfunc_end2:
_tile_overlayer_lowered:
.L_overlay_start_2:
0x1ac: {  	(tag) =	ssettag $0x2  }
0x1ad: {  	s0 =	rddreg [dreg:$0x0];
	s2 =	stileid.u32  }
0x1ae: {  	s1 =	rddreg [dreg:$0x1];
	p0 =	sne.s32 s2, $0x0  }
0x1af: {  	s3 =	rddreg [dreg:$0x2];
	[bflag:$0x3] =	sbarrier.arrive $0xFFFF;
	s2 =	simm.s32 @!p0 $0x1C02  }
0x1b0: {  	[timem:s3], [sflag:s2] =	dma.local @!p0 [hbm:s0], s1  }
0x1b1: {  	s0 =	simm.s32 @!p0 $0x2  }
0x1b2: {  	_ =	swait.ge @!p0 [sflag:s0], s1  }
0x1b3: {  	s1 =	ssub.s32 @!p0 $0x0, s1;
	[sflag:s0] =	ssyncset.done @!p0 $0x0  }
0x1b4: {  	[sflag:s0] =	ssyncadd.s32 @!p0 s1  }
0x1b5: {  	[bflag:$0x3] =	sbarrier.arrive $0xFFFF  }
0x1b6: {  	_ =	shalt  }

</sc_bundles>
